<compile_context>
chip_gen: v7x
topology: tpu7x:2x2x1
jax: 0.10.2.dev20260603
libtpu: 0.0.44.dev20260713+nightly
codegen_flags: <defaults>
</compile_context>

<pallas_src>
import math

import jax
import jax.numpy as jnp
from jax import lax
from jax.experimental import pallas as pl
from jax.experimental.pallas import tpu as pltpu
from jax.experimental.pallas import tpu_sc as plsc

D_MODEL = 128
SCALE = math.sqrt(D_MODEL)
NUM_CORES = 2
NUM_SUBCORES = 16
NUM_WORKERS = NUM_CORES * NUM_SUBCORES
CHUNK = 128
LANES = 16


NBUF = 5


def _emb_body(x_hbm, table_hbm, out_hbm, idx_v, bufs, *sems):
    wid = lax.axis_index("s") * NUM_CORES + lax.axis_index("c")
    num_chunks = idx_v.shape[0]
    gsem = sems[:NBUF]
    psem = sems[NBUF:]
    pltpu.sync_copy(x_hbm.at[wid], idx_v)

    def issue_gather(s, b):
        pltpu.async_copy(table_hbm.at[idx_v.at[s]], bufs.at[b], gsem[b])

    def drain_put(b):
        pltpu.make_async_copy(bufs.at[b], out_slice(0), psem[b]).wait()

    def out_slice(s):
        return out_hbm.at[pl.ds((wid * num_chunks + s) * CHUNK, CHUNK)]

    for b in range(3):
        issue_gather(b, b)

    def do_group(g, carry):
        for b in range(NBUF):
            s = NBUF * g + b
            nxt = (b + 3) % NBUF

            @pl.when(s >= 2)
            def _():
                drain_put(nxt)

            @pl.when(s + 3 < num_chunks)
            def _():
                issue_gather(s + 3, nxt)

            pltpu.make_async_copy(table_hbm.at[idx_v.at[s]], bufs.at[b],
                                  gsem[b]).wait()

            def scale_row(r, c2):
                for j in range(D_MODEL // LANES):
                    sl = pl.ds(j * LANES, LANES)
                    bufs[b, r, sl] = bufs[b, r, sl] * SCALE
                return c2

            lax.fori_loop(0, CHUNK, scale_row, 0, unroll=2)
            pltpu.async_copy(bufs.at[b], out_slice(s), psem[b])
        return carry

    lax.fori_loop(0, num_chunks // NBUF, do_group, 0)
    drain_put((num_chunks - 2) % NBUF)
    drain_put((num_chunks - 1) % NBUF)


def kernel(x, table):
    batch, hist = x.shape
    vocab, d = table.shape
    total = batch * hist
    assert d == D_MODEL and total % (NUM_WORKERS * CHUNK * NBUF) == 0
    s_chunks = total // (NUM_WORKERS * CHUNK)

    xt = x.T.reshape(NUM_WORKERS, s_chunks, CHUNK).astype(jnp.int32)
    mesh = plsc.VectorSubcoreMesh(core_axis_name="c", subcore_axis_name="s")
    flat = pl.kernel(
        _emb_body,
        out_type=jax.ShapeDtypeStruct((total, D_MODEL), jnp.float32),
        mesh=mesh,
        scratch_types=[
            pltpu.VMEM((s_chunks, CHUNK), jnp.int32),
            pltpu.VMEM((NBUF, CHUNK, D_MODEL), jnp.float32),
        ] + [pltpu.SemaphoreType.DMA] * (2 * NBUF),
    )(xt, table)
    return flat.reshape(hist, batch, D_MODEL).swapaxes(0, 1)

# --- scband reference (transcript-rebuilt; emitter-appended) ---
"""Pipeline reference for scband-embedding-58884001628586 (READ-ONLY COPY).

The authoritative reference and input builder live on the scoring server;
editing this copy changes nothing except your own understanding.
"""

import jax, jax.numpy as jnp
import numpy as np
import math

D_MODEL = 128
VOCAB = 100000
BATCH = 4096
HIST = 50

def setup_inputs(seed: int = 0) -> dict:
    key = jax.random.key(seed)
    k1, k2 = jax.random.split(key)
    x = jax.random.randint(k1, (BATCH, HIST), 0, VOCAB, dtype=jnp.int64 if jax.config.jax_enable_x64 else jnp.int32)
    table = jax.random.normal(k2, (VOCAB, D_MODEL), dtype=jnp.float32)
    return {"x": x, "table": table}

def reference(x, table):
    # Embedding lookup followed by scaling by sqrt(d_model)
    emb = jnp.take(table, x, axis=0)
    return emb * math.sqrt(D_MODEL)

if __name__ == "__main__":
    import jax
    _d = setup_inputs()
    print(jax.jit(kernel)(*tuple(_d.values())))

</pallas_src>

<mosaic_0001>
#map = affine_map<(d0, d1) -> (0, 0, 0)>
#map1 = affine_map<(d0, d1) -> (0, 0)>
module attributes {stable_mosaic.version = 14 : i64} {
  func.func @_emb_body(%arg0: i32, %arg1: i32, %arg2: memref<32x50x128xi32, #tpu.memory_space<hbm>>, %arg3: memref<100000x128xf32, #tpu.memory_space<hbm>>, %arg4: memref<204800x128xf32, #tpu.memory_space<hbm>>, %arg5: memref<50x128xi32, #tpu.memory_space<vmem>>, %arg6: memref<5x128x128xf32, #tpu.memory_space<vmem>>, %arg7: memref<!tpu.dma_semaphore, #tpu.memory_space<semaphore_mem>>, %arg8: memref<!tpu.dma_semaphore, #tpu.memory_space<semaphore_mem>>, %arg9: memref<!tpu.dma_semaphore, #tpu.memory_space<semaphore_mem>>, %arg10: memref<!tpu.dma_semaphore, #tpu.memory_space<semaphore_mem>>, %arg11: memref<!tpu.dma_semaphore, #tpu.memory_space<semaphore_mem>>, %arg12: memref<!tpu.dma_semaphore, #tpu.memory_space<semaphore_mem>>, %arg13: memref<!tpu.dma_semaphore, #tpu.memory_space<semaphore_mem>>, %arg14: memref<!tpu.dma_semaphore, #tpu.memory_space<semaphore_mem>>, %arg15: memref<!tpu.dma_semaphore, #tpu.memory_space<semaphore_mem>>, %arg16: memref<!tpu.dma_semaphore, #tpu.memory_space<semaphore_mem>>) attributes {dimension_semantics = [#tpu.dimension_semantics<core_parallel>, #tpu.dimension_semantics<subcore_parallel>], iteration_bounds = array<i64: 2, 16>, scalar_prefetch = 0 : i64, scratch_operands = 12 : i64, tpu.core_type = #tpu.core_type<sc_vector_subcore>, window_params = [{transform_indices = #map}, {transform_indices = #map1}, {transform_indices = #map1}]} {
    %mul3A = arith.constant 2 : i32
    %mul3A_0 = arith.muli %arg1, %mul3A : i32
    %add3A = arith.addi %mul3A_0, %arg0 : i32
    "tpu.region"() ({
      %run_scoped3A = tpu.sem_alloc : memref<!tpu.dma_semaphore, #tpu.memory_space<semaphore_mem>>
      %dma_start3A_78 = arith.constant 0 : i32
      %dma_start3A_79 = arith.constant 0 : i32
      %dma_start3A_80 = tpu.memref_slice %arg2[%add3A, %dma_start3A_78, %dma_start3A_79] : memref<32x50x128xi32, #tpu.memory_space<hbm>> -> memref<1x50x128xi32, #tpu.memory_space<hbm>>
      %dma_start3A_81 = tpu.memref_squeeze %dma_start3A_80 : memref<1x50x128xi32, #tpu.memory_space<hbm>> -> memref<50x128xi32, #tpu.memory_space<hbm>>
      %dma_start3A_82 = arith.constant 0 : i32
      %dma_start3A_83 = arith.constant 0 : i32
      %dma_start3A_84 = tpu.memref_slice %arg2[%add3A, %dma_start3A_82, %dma_start3A_83] : memref<32x50x128xi32, #tpu.memory_space<hbm>> -> memref<1x50x128xi32, #tpu.memory_space<hbm>>
      %dma_start3A_85 = tpu.memref_squeeze %dma_start3A_84 : memref<1x50x128xi32, #tpu.memory_space<hbm>> -> memref<50x128xi32, #tpu.memory_space<hbm>>
      tpu.enqueue_dma source(%dma_start3A_85 : memref<50x128xi32, #tpu.memory_space<hbm>>) target(%arg5 : memref<50x128xi32, #tpu.memory_space<vmem>>) target_semaphore(%run_scoped3A : memref<!tpu.dma_semaphore, #tpu.memory_space<semaphore_mem>>)
      %dma_wait3A_86 = arith.constant 0 : i32
      %dma_wait3A_87 = arith.constant 0 : i32
      %dma_wait3A_88 = tpu.memref_slice %arg2[%add3A, %dma_wait3A_86, %dma_wait3A_87] : memref<32x50x128xi32, #tpu.memory_space<hbm>> -> memref<1x50x128xi32, #tpu.memory_space<hbm>>
      %dma_wait3A_89 = tpu.memref_squeeze %dma_wait3A_88 : memref<1x50x128xi32, #tpu.memory_space<hbm>> -> memref<50x128xi32, #tpu.memory_space<hbm>>
      %dma_wait3A_90 = arith.constant 0 : i32
      %dma_wait3A_91 = arith.constant 0 : i32
      %dma_wait3A_92 = tpu.memref_slice %arg2[%add3A, %dma_wait3A_90, %dma_wait3A_91] : memref<32x50x128xi32, #tpu.memory_space<hbm>> -> memref<1x50x128xi32, #tpu.memory_space<hbm>>
      %dma_wait3A_93 = tpu.memref_squeeze %dma_wait3A_92 : memref<1x50x128xi32, #tpu.memory_space<hbm>> -> memref<50x128xi32, #tpu.memory_space<hbm>>
      tpu.wait_dma2 semaphore(%run_scoped3A : memref<!tpu.dma_semaphore, #tpu.memory_space<semaphore_mem>>) src(%dma_wait3A_93 : memref<50x128xi32, #tpu.memory_space<hbm>>) dst(%arg5 : memref<50x128xi32, #tpu.memory_space<vmem>>)
      tpu.yield
    }) : () -> ()
    %dma_start3A = arith.constant 0 : i32
    %dma_start3A_1 = arith.constant 0 : i32
    %dma_start3A_2 = arith.constant 0 : i32
    %dma_start3A_3 = arith.constant 0 : i32
    %dma_start3A_4 = tpu.memref_slice %arg6[%dma_start3A_1, %dma_start3A_2, %dma_start3A_3] : memref<5x128x128xf32, #tpu.memory_space<vmem>> -> memref<1x128x128xf32, #tpu.memory_space<vmem>>
    %dma_start3A_5 = tpu.memref_squeeze %dma_start3A_4 : memref<1x128x128xf32, #tpu.memory_space<vmem>> -> memref<128x128xf32, #tpu.memory_space<vmem>>
    %dma_start3A_6 = arith.constant 0 : i32
    %dma_start3A_7 = tpu.memref_slice %arg5[%dma_start3A, %dma_start3A_6] : memref<50x128xi32, #tpu.memory_space<vmem>> -> memref<1x128xi32, #tpu.memory_space<vmem>>
    %dma_start3A_8 = tpu.memref_squeeze %dma_start3A_7 : memref<1x128xi32, #tpu.memory_space<vmem>> -> memref<128xi32, #tpu.memory_space<vmem>>
    %dma_start3A_9 = arith.constant 0 : i32
    %dma_start3A_10 = arith.constant 0 : i32
    %dma_start3A_11 = tpu.memref_slice %arg3[%dma_start3A_9, %dma_start3A_10] : memref<100000x128xf32, #tpu.memory_space<hbm>> -> memref<100000x128xf32, #tpu.memory_space<hbm>>
    tpu.enqueue_indirect_dma source(%dma_start3A_11 : memref<100000x128xf32, #tpu.memory_space<hbm>>) target(%dma_start3A_5 : memref<128x128xf32, #tpu.memory_space<vmem>>) offsets(%dma_start3A_8 : memref<128xi32, #tpu.memory_space<vmem>>) semaphore(%arg7 : memref<!tpu.dma_semaphore, #tpu.memory_space<semaphore_mem>>)
    %dma_start3A_12 = arith.constant 1 : i32
    %dma_start3A_13 = arith.constant 1 : i32
    %dma_start3A_14 = arith.constant 0 : i32
    %dma_start3A_15 = arith.constant 0 : i32
    %dma_start3A_16 = tpu.memref_slice %arg6[%dma_start3A_13, %dma_start3A_14, %dma_start3A_15] : memref<5x128x128xf32, #tpu.memory_space<vmem>> -> memref<1x128x128xf32, #tpu.memory_space<vmem>>
    %dma_start3A_17 = tpu.memref_squeeze %dma_start3A_16 : memref<1x128x128xf32, #tpu.memory_space<vmem>> -> memref<128x128xf32, #tpu.memory_space<vmem>>
    %dma_start3A_18 = arith.constant 0 : i32
    %dma_start3A_19 = tpu.memref_slice %arg5[%dma_start3A_12, %dma_start3A_18] : memref<50x128xi32, #tpu.memory_space<vmem>> -> memref<1x128xi32, #tpu.memory_space<vmem>>
    %dma_start3A_20 = tpu.memref_squeeze %dma_start3A_19 : memref<1x128xi32, #tpu.memory_space<vmem>> -> memref<128xi32, #tpu.memory_space<vmem>>
    %dma_start3A_21 = arith.constant 0 : i32
    %dma_start3A_22 = arith.constant 0 : i32
    %dma_start3A_23 = tpu.memref_slice %arg3[%dma_start3A_21, %dma_start3A_22] : memref<100000x128xf32, #tpu.memory_space<hbm>> -> memref<100000x128xf32, #tpu.memory_space<hbm>>
    tpu.enqueue_indirect_dma source(%dma_start3A_23 : memref<100000x128xf32, #tpu.memory_space<hbm>>) target(%dma_start3A_17 : memref<128x128xf32, #tpu.memory_space<vmem>>) offsets(%dma_start3A_20 : memref<128xi32, #tpu.memory_space<vmem>>) semaphore(%arg8 : memref<!tpu.dma_semaphore, #tpu.memory_space<semaphore_mem>>)
    %dma_start3A_24 = arith.constant 2 : i32
    %dma_start3A_25 = arith.constant 2 : i32
    %dma_start3A_26 = arith.constant 0 : i32
    %dma_start3A_27 = arith.constant 0 : i32
    %dma_start3A_28 = tpu.memref_slice %arg6[%dma_start3A_25, %dma_start3A_26, %dma_start3A_27] : memref<5x128x128xf32, #tpu.memory_space<vmem>> -> memref<1x128x128xf32, #tpu.memory_space<vmem>>
    %dma_start3A_29 = tpu.memref_squeeze %dma_start3A_28 : memref<1x128x128xf32, #tpu.memory_space<vmem>> -> memref<128x128xf32, #tpu.memory_space<vmem>>
    %dma_start3A_30 = arith.constant 0 : i32
    %dma_start3A_31 = tpu.memref_slice %arg5[%dma_start3A_24, %dma_start3A_30] : memref<50x128xi32, #tpu.memory_space<vmem>> -> memref<1x128xi32, #tpu.memory_space<vmem>>
    %dma_start3A_32 = tpu.memref_squeeze %dma_start3A_31 : memref<1x128xi32, #tpu.memory_space<vmem>> -> memref<128xi32, #tpu.memory_space<vmem>>
    %dma_start3A_33 = arith.constant 0 : i32
    %dma_start3A_34 = arith.constant 0 : i32
    %dma_start3A_35 = tpu.memref_slice %arg3[%dma_start3A_33, %dma_start3A_34] : memref<100000x128xf32, #tpu.memory_space<hbm>> -> memref<100000x128xf32, #tpu.memory_space<hbm>>
    tpu.enqueue_indirect_dma source(%dma_start3A_35 : memref<100000x128xf32, #tpu.memory_space<hbm>>) target(%dma_start3A_29 : memref<128x128xf32, #tpu.memory_space<vmem>>) offsets(%dma_start3A_32 : memref<128xi32, #tpu.memory_space<vmem>>) semaphore(%arg9 : memref<!tpu.dma_semaphore, #tpu.memory_space<semaphore_mem>>)
    %scan3A = arith.constant 0 : i32
    %scan3A_36 = arith.constant 0 : i32
    %scan3A_37 = arith.constant 10 : i32
    %scan3A_38 = arith.addi %scan3A_36, %scan3A_37 : i32
    %scan3A_39 = arith.constant 1 : i32
    scf.for %scan3A_78 = %scan3A_36 to %scan3A_38 step %scan3A_39  : i32 {
      %mul3A_79 = arith.constant 5 : i32
      %mul3A_80 = arith.muli %mul3A_79, %scan3A_78 : i32
      %add3A_81 = arith.constant 0 : i32
      %add3A_82 = arith.addi %mul3A_80, %add3A_81 : i32
      %ge3A = arith.constant 2 : i32
      %ge3A_83 = arith.cmpi sge, %add3A_82, %ge3A : i32
      %convert_element_type3A = arith.extui %ge3A_83 : i1 to i32
      %cond3A = arith.constant 0 : i32
      %cond3A_84 = arith.cmpi ne, %convert_element_type3A, %cond3A : i32
      scf.if %cond3A_84 {
        %mul3A_330 = arith.constant 50 : i32
        %mul3A_331 = arith.muli %add3A, %mul3A_330 : i32
        %add3A_332 = arith.constant 0 : i32
        %add3A_333 = arith.addi %mul3A_331, %add3A_332 : i32
        %mul3A_334 = arith.constant 128 : i32
        %mul3A_335 = arith.muli %add3A_333, %mul3A_334 : i32
        %dma_wait3A_336 = arith.constant 3 : i32
        %dma_wait3A_337 = arith.constant 0 : i32
        %dma_wait3A_338 = arith.constant 0 : i32
        %dma_wait3A_339 = tpu.memref_slice %arg6[%dma_wait3A_336, %dma_wait3A_337, %dma_wait3A_338] : memref<5x128x128xf32, #tpu.memory_space<vmem>> -> memref<1x128x128xf32, #tpu.memory_space<vmem>>
        %dma_wait3A_340 = tpu.memref_squeeze %dma_wait3A_339 : memref<1x128x128xf32, #tpu.memory_space<vmem>> -> memref<128x128xf32, #tpu.memory_space<vmem>>
        %dma_wait3A_341 = arith.constant 0 : i32
        %dma_wait3A_342 = tpu.memref_slice %arg4[%mul3A_335, %dma_wait3A_341] : memref<204800x128xf32, #tpu.memory_space<hbm>> -> memref<128x128xf32, #tpu.memory_space<hbm>>
        %dma_wait3A_343 = arith.constant 0 : i32
        %dma_wait3A_344 = tpu.memref_slice %arg4[%mul3A_335, %dma_wait3A_343] : memref<204800x128xf32, #tpu.memory_space<hbm>> -> memref<128x128xf32, #tpu.memory_space<hbm>>
        %dma_wait3A_345 = arith.constant 0 : i32
        %dma_wait3A_346 = arith.constant 0 : i32
        %dma_wait3A_347 = tpu.memref_slice %arg6[%dma_wait3A_336, %dma_wait3A_345, %dma_wait3A_346] : memref<5x128x128xf32, #tpu.memory_space<vmem>> -> memref<1x128x128xf32, #tpu.memory_space<vmem>>
        %dma_wait3A_348 = tpu.memref_squeeze %dma_wait3A_347 : memref<1x128x128xf32, #tpu.memory_space<vmem>> -> memref<128x128xf32, #tpu.memory_space<vmem>>
        tpu.wait_dma2 semaphore(%arg15 : memref<!tpu.dma_semaphore, #tpu.memory_space<semaphore_mem>>) src(%dma_wait3A_348 : memref<128x128xf32, #tpu.memory_space<vmem>>) dst(%dma_wait3A_344 : memref<128x128xf32, #tpu.memory_space<hbm>>)
      } else {
      }
      %add3A_85 = arith.constant 3 : i32
      %add3A_86 = arith.addi %add3A_82, %add3A_85 : i32
      %lt3A = arith.constant 50 : i32
      %lt3A_87 = arith.cmpi slt, %add3A_86, %lt3A : i32
      %convert_element_type3A_88 = arith.extui %lt3A_87 : i1 to i32
      %cond3A_89 = arith.constant 0 : i32
      %cond3A_90 = arith.cmpi ne, %convert_element_type3A_88, %cond3A_89 : i32
      scf.if %cond3A_90 {
        %add3A_330 = arith.constant 3 : i32
        %add3A_331 = arith.addi %add3A_82, %add3A_330 : i32
        %dma_start3A_332 = arith.constant 3 : i32
        %dma_start3A_333 = arith.constant 0 : i32
        %dma_start3A_334 = arith.constant 0 : i32
        %dma_start3A_335 = tpu.memref_slice %arg6[%dma_start3A_332, %dma_start3A_333, %dma_start3A_334] : memref<5x128x128xf32, #tpu.memory_space<vmem>> -> memref<1x128x128xf32, #tpu.memory_space<vmem>>
        %dma_start3A_336 = tpu.memref_squeeze %dma_start3A_335 : memref<1x128x128xf32, #tpu.memory_space<vmem>> -> memref<128x128xf32, #tpu.memory_space<vmem>>
        %dma_start3A_337 = arith.constant 0 : i32
        %dma_start3A_338 = tpu.memref_slice %arg5[%add3A_331, %dma_start3A_337] : memref<50x128xi32, #tpu.memory_space<vmem>> -> memref<1x128xi32, #tpu.memory_space<vmem>>
        %dma_start3A_339 = tpu.memref_squeeze %dma_start3A_338 : memref<1x128xi32, #tpu.memory_space<vmem>> -> memref<128xi32, #tpu.memory_space<vmem>>
        %dma_start3A_340 = arith.constant 0 : i32
        %dma_start3A_341 = arith.constant 0 : i32
        %dma_start3A_342 = tpu.memref_slice %arg3[%dma_start3A_340, %dma_start3A_341] : memref<100000x128xf32, #tpu.memory_space<hbm>> -> memref<100000x128xf32, #tpu.memory_space<hbm>>
        tpu.enqueue_indirect_dma source(%dma_start3A_342 : memref<100000x128xf32, #tpu.memory_space<hbm>>) target(%dma_start3A_336 : memref<128x128xf32, #tpu.memory_space<vmem>>) offsets(%dma_start3A_339 : memref<128xi32, #tpu.memory_space<vmem>>) semaphore(%arg10 : memref<!tpu.dma_semaphore, #tpu.memory_space<semaphore_mem>>)
      } else {
      }
      %dma_wait3A_91 = arith.constant 0 : i32
      %dma_wait3A_92 = arith.constant 0 : i32
      %dma_wait3A_93 = arith.constant 0 : i32
      %dma_wait3A_94 = tpu.memref_slice %arg6[%dma_wait3A_91, %dma_wait3A_92, %dma_wait3A_93] : memref<5x128x128xf32, #tpu.memory_space<vmem>> -> memref<1x128x128xf32, #tpu.memory_space<vmem>>
      %dma_wait3A_95 = tpu.memref_squeeze %dma_wait3A_94 : memref<1x128x128xf32, #tpu.memory_space<vmem>> -> memref<128x128xf32, #tpu.memory_space<vmem>>
      %dma_wait3A_96 = arith.constant 0 : i32
      %dma_wait3A_97 = tpu.memref_slice %arg5[%add3A_82, %dma_wait3A_96] : memref<50x128xi32, #tpu.memory_space<vmem>> -> memref<1x128xi32, #tpu.memory_space<vmem>>
      %dma_wait3A_98 = tpu.memref_squeeze %dma_wait3A_97 : memref<1x128xi32, #tpu.memory_space<vmem>> -> memref<128xi32, #tpu.memory_space<vmem>>
      %dma_wait3A_99 = arith.constant 0 : i32
      %dma_wait3A_100 = arith.constant 0 : i32
      %dma_wait3A_101 = tpu.memref_slice %arg3[%dma_wait3A_99, %dma_wait3A_100] : memref<100000x128xf32, #tpu.memory_space<hbm>> -> memref<100000x128xf32, #tpu.memory_space<hbm>>
      tpu.wait_indirect_dma semaphore(%arg7 : memref<!tpu.dma_semaphore, #tpu.memory_space<semaphore_mem>>) src(%dma_wait3A_101 : memref<100000x128xf32, #tpu.memory_space<hbm>>) dst(%dma_wait3A_95 : memref<128x128xf32, #tpu.memory_space<vmem>>)
      %scan3A_102 = arith.constant 0 : i32
      %scan3A_103 = arith.constant 0 : i32
      %scan3A_104 = arith.constant 128 : i32
      %scan3A_105 = arith.addi %scan3A_103, %scan3A_104 : i32
      %scan3A_106 = arith.constant 2 : i32
      scf.for %scan3A_330 = %scan3A_103 to %scan3A_105 step %scan3A_106  : i32 {
        %get3A = arith.constant 0 : i32
        %get3A_331 = arith.index_cast %get3A : i32 to index
        %get3A_332 = arith.index_cast %scan3A_330 : i32 to index
        %get3A_333 = arith.constant 0 : index
        %get3A_334 = tpu.vector_load %arg6[%get3A_331, %get3A_332, %get3A_333] {strides = array<i32>} : memref<5x128x128xf32, #tpu.memory_space<vmem>>, vector<1x1x16xf32>,
        %get3A_335 = vector.shape_cast %get3A_334 : vector<1x1x16xf32> to vector<16xf32>
        %mul3A_336 = arith.constant 11.3137083 : f32
        %mul3A_337 = vector.broadcast %mul3A_336 : f32 to vector<16xf32>
        %mul3A_338 = arith.mulf %get3A_335, %mul3A_337 : vector<16xf32>
        %swap3A = arith.constant 0 : i32
        %swap3A_339 = arith.index_cast %swap3A : i32 to index
        %swap3A_340 = arith.index_cast %scan3A_330 : i32 to index
        %swap3A_341 = arith.constant 0 : index
        %swap3A_342 = tpu.vector_load %arg6[%swap3A_339, %swap3A_340, %swap3A_341] {strides = array<i32>} : memref<5x128x128xf32, #tpu.memory_space<vmem>>, vector<1x1x16xf32>,
        %swap3A_343 = vector.shape_cast %swap3A_342 : vector<1x1x16xf32> to vector<16xf32>
        %swap3A_344 = vector.shape_cast %mul3A_338 : vector<16xf32> to vector<1x1x16xf32>
        tpu.vector_store %arg6[%swap3A_339, %swap3A_340, %swap3A_341], %swap3A_344 {strides = array<i32>} : memref<5x128x128xf32, #tpu.memory_space<vmem>>, vector<1x1x16xf32>,
        %get3A_345 = arith.constant 0 : i32
        %get3A_346 = arith.index_cast %get3A_345 : i32 to index
        %get3A_347 = arith.index_cast %scan3A_330 : i32 to index
        %get3A_348 = arith.constant 16 : index
        %get3A_349 = tpu.vector_load %arg6[%get3A_346, %get3A_347, %get3A_348] {strides = array<i32>} : memref<5x128x128xf32, #tpu.memory_space<vmem>>, vector<1x1x16xf32>,
        %get3A_350 = vector.shape_cast %get3A_349 : vector<1x1x16xf32> to vector<16xf32>
        %mul3A_351 = arith.constant 11.3137083 : f32
        %mul3A_352 = vector.broadcast %mul3A_351 : f32 to vector<16xf32>
        %mul3A_353 = arith.mulf %get3A_350, %mul3A_352 : vector<16xf32>
        %swap3A_354 = arith.constant 0 : i32
        %swap3A_355 = arith.index_cast %swap3A_354 : i32 to index
        %swap3A_356 = arith.index_cast %scan3A_330 : i32 to index
        %swap3A_357 = arith.constant 16 : index
        %swap3A_358 = tpu.vector_load %arg6[%swap3A_355, %swap3A_356, %swap3A_357] {strides = array<i32>} : memref<5x128x128xf32, #tpu.memory_space<vmem>>, vector<1x1x16xf32>,
        %swap3A_359 = vector.shape_cast %swap3A_358 : vector<1x1x16xf32> to vector<16xf32>
        %swap3A_360 = vector.shape_cast %mul3A_353 : vector<16xf32> to vector<1x1x16xf32>
        tpu.vector_store %arg6[%swap3A_355, %swap3A_356, %swap3A_357], %swap3A_360 {strides = array<i32>} : memref<5x128x128xf32, #tpu.memory_space<vmem>>, vector<1x1x16xf32>,
        %get3A_361 = arith.constant 0 : i32
        %get3A_362 = arith.index_cast %get3A_361 : i32 to index
        %get3A_363 = arith.index_cast %scan3A_330 : i32 to index
        %get3A_364 = arith.constant 32 : index
        %get3A_365 = tpu.vector_load %arg6[%get3A_362, %get3A_363, %get3A_364] {strides = array<i32>} : memref<5x128x128xf32, #tpu.memory_space<vmem>>, vector<1x1x16xf32>,
        %get3A_366 = vector.shape_cast %get3A_365 : vector<1x1x16xf32> to vector<16xf32>
        %mul3A_367 = arith.constant 11.3137083 : f32
        %mul3A_368 = vector.broadcast %mul3A_367 : f32 to vector<16xf32>
        %mul3A_369 = arith.mulf %get3A_366, %mul3A_368 : vector<16xf32>
        %swap3A_370 = arith.constant 0 : i32
        %swap3A_371 = arith.index_cast %swap3A_370 : i32 to index
        %swap3A_372 = arith.index_cast %scan3A_330 : i32 to index
        %swap3A_373 = arith.constant 32 : index
        %swap3A_374 = tpu.vector_load %arg6[%swap3A_371, %swap3A_372, %swap3A_373] {strides = array<i32>} : memref<5x128x128xf32, #tpu.memory_space<vmem>>, vector<1x1x16xf32>,
        %swap3A_375 = vector.shape_cast %swap3A_374 : vector<1x1x16xf32> to vector<16xf32>
        %swap3A_376 = vector.shape_cast %mul3A_369 : vector<16xf32> to vector<1x1x16xf32>
        tpu.vector_store %arg6[%swap3A_371, %swap3A_372, %swap3A_373], %swap3A_376 {strides = array<i32>} : memref<5x128x128xf32, #tpu.memory_space<vmem>>, vector<1x1x16xf32>,
        %get3A_377 = arith.constant 0 : i32
        %get3A_378 = arith.index_cast %get3A_377 : i32 to index
        %get3A_379 = arith.index_cast %scan3A_330 : i32 to index
        %get3A_380 = arith.constant 48 : index
        %get3A_381 = tpu.vector_load %arg6[%get3A_378, %get3A_379, %get3A_380] {strides = array<i32>} : memref<5x128x128xf32, #tpu.memory_space<vmem>>, vector<1x1x16xf32>,
        %get3A_382 = vector.shape_cast %get3A_381 : vector<1x1x16xf32> to vector<16xf32>
        %mul3A_383 = arith.constant 11.3137083 : f32
        %mul3A_384 = vector.broadcast %mul3A_383 : f32 to vector<16xf32>
        %mul3A_385 = arith.mulf %get3A_382, %mul3A_384 : vector<16xf32>
        %swap3A_386 = arith.constant 0 : i32
        %swap3A_387 = arith.index_cast %swap3A_386 : i32 to index
        %swap3A_388 = arith.index_cast %scan3A_330 : i32 to index
        %swap3A_389 = arith.constant 48 : index
        %swap3A_390 = tpu.vector_load %arg6[%swap3A_387, %swap3A_388, %swap3A_389] {strides = array<i32>} : memref<5x128x128xf32, #tpu.memory_space<vmem>>, vector<1x1x16xf32>,
        %swap3A_391 = vector.shape_cast %swap3A_390 : vector<1x1x16xf32> to vector<16xf32>
        %swap3A_392 = vector.shape_cast %mul3A_385 : vector<16xf32> to vector<1x1x16xf32>
        tpu.vector_store %arg6[%swap3A_387, %swap3A_388, %swap3A_389], %swap3A_392 {strides = array<i32>} : memref<5x128x128xf32, #tpu.memory_space<vmem>>, vector<1x1x16xf32>,
        %get3A_393 = arith.constant 0 : i32
        %get3A_394 = arith.index_cast %get3A_393 : i32 to index
        %get3A_395 = arith.index_cast %scan3A_330 : i32 to index
        %get3A_396 = arith.constant 64 : index
        %get3A_397 = tpu.vector_load %arg6[%get3A_394, %get3A_395, %get3A_396] {strides = array<i32>} : memref<5x128x128xf32, #tpu.memory_space<vmem>>, vector<1x1x16xf32>,
        %get3A_398 = vector.shape_cast %get3A_397 : vector<1x1x16xf32> to vector<16xf32>
        %mul3A_399 = arith.constant 11.3137083 : f32
        %mul3A_400 = vector.broadcast %mul3A_399 : f32 to vector<16xf32>
        %mul3A_401 = arith.mulf %get3A_398, %mul3A_400 : vector<16xf32>
        %swap3A_402 = arith.constant 0 : i32
        %swap3A_403 = arith.index_cast %swap3A_402 : i32 to index
        %swap3A_404 = arith.index_cast %scan3A_330 : i32 to index
        %swap3A_405 = arith.constant 64 : index
        %swap3A_406 = tpu.vector_load %arg6[%swap3A_403, %swap3A_404, %swap3A_405] {strides = array<i32>} : memref<5x128x128xf32, #tpu.memory_space<vmem>>, vector<1x1x16xf32>,
        %swap3A_407 = vector.shape_cast %swap3A_406 : vector<1x1x16xf32> to vector<16xf32>
        %swap3A_408 = vector.shape_cast %mul3A_401 : vector<16xf32> to vector<1x1x16xf32>
        tpu.vector_store %arg6[%swap3A_403, %swap3A_404, %swap3A_405], %swap3A_408 {strides = array<i32>} : memref<5x128x128xf32, #tpu.memory_space<vmem>>, vector<1x1x16xf32>,
        %get3A_409 = arith.constant 0 : i32
        %get3A_410 = arith.index_cast %get3A_409 : i32 to index
        %get3A_411 = arith.index_cast %scan3A_330 : i32 to index
        %get3A_412 = arith.constant 80 : index
        %get3A_413 = tpu.vector_load %arg6[%get3A_410, %get3A_411, %get3A_412] {strides = array<i32>} : memref<5x128x128xf32, #tpu.memory_space<vmem>>, vector<1x1x16xf32>,
        %get3A_414 = vector.shape_cast %get3A_413 : vector<1x1x16xf32> to vector<16xf32>
        %mul3A_415 = arith.constant 11.3137083 : f32
        %mul3A_416 = vector.broadcast %mul3A_415 : f32 to vector<16xf32>
        %mul3A_417 = arith.mulf %get3A_414, %mul3A_416 : vector<16xf32>
        %swap3A_418 = arith.constant 0 : i32
        %swap3A_419 = arith.index_cast %swap3A_418 : i32 to index
        %swap3A_420 = arith.index_cast %scan3A_330 : i32 to index
        %swap3A_421 = arith.constant 80 : index
        %swap3A_422 = tpu.vector_load %arg6[%swap3A_419, %swap3A_420, %swap3A_421] {strides = array<i32>} : memref<5x128x128xf32, #tpu.memory_space<vmem>>, vector<1x1x16xf32>,
        %swap3A_423 = vector.shape_cast %swap3A_422 : vector<1x1x16xf32> to vector<16xf32>
        %swap3A_424 = vector.shape_cast %mul3A_417 : vector<16xf32> to vector<1x1x16xf32>
        tpu.vector_store %arg6[%swap3A_419, %swap3A_420, %swap3A_421], %swap3A_424 {strides = array<i32>} : memref<5x128x128xf32, #tpu.memory_space<vmem>>, vector<1x1x16xf32>,
        %get3A_425 = arith.constant 0 : i32
        %get3A_426 = arith.index_cast %get3A_425 : i32 to index
        %get3A_427 = arith.index_cast %scan3A_330 : i32 to index
        %get3A_428 = arith.constant 96 : index
        %get3A_429 = tpu.vector_load %arg6[%get3A_426, %get3A_427, %get3A_428] {strides = array<i32>} : memref<5x128x128xf32, #tpu.memory_space<vmem>>, vector<1x1x16xf32>,
        %get3A_430 = vector.shape_cast %get3A_429 : vector<1x1x16xf32> to vector<16xf32>
        %mul3A_431 = arith.constant 11.3137083 : f32
        %mul3A_432 = vector.broadcast %mul3A_431 : f32 to vector<16xf32>
        %mul3A_433 = arith.mulf %get3A_430, %mul3A_432 : vector<16xf32>
        %swap3A_434 = arith.constant 0 : i32
        %swap3A_435 = arith.index_cast %swap3A_434 : i32 to index
        %swap3A_436 = arith.index_cast %scan3A_330 : i32 to index
        %swap3A_437 = arith.constant 96 : index
        %swap3A_438 = tpu.vector_load %arg6[%swap3A_435, %swap3A_436, %swap3A_437] {strides = array<i32>} : memref<5x128x128xf32, #tpu.memory_space<vmem>>, vector<1x1x16xf32>,
        %swap3A_439 = vector.shape_cast %swap3A_438 : vector<1x1x16xf32> to vector<16xf32>
        %swap3A_440 = vector.shape_cast %mul3A_433 : vector<16xf32> to vector<1x1x16xf32>
        tpu.vector_store %arg6[%swap3A_435, %swap3A_436, %swap3A_437], %swap3A_440 {strides = array<i32>} : memref<5x128x128xf32, #tpu.memory_space<vmem>>, vector<1x1x16xf32>,
        %get3A_441 = arith.constant 0 : i32
        %get3A_442 = arith.index_cast %get3A_441 : i32 to index
        %get3A_443 = arith.index_cast %scan3A_330 : i32 to index
        %get3A_444 = arith.constant 112 : index
        %get3A_445 = tpu.vector_load %arg6[%get3A_442, %get3A_443, %get3A_444] {strides = array<i32>} : memref<5x128x128xf32, #tpu.memory_space<vmem>>, vector<1x1x16xf32>,
        %get3A_446 = vector.shape_cast %get3A_445 : vector<1x1x16xf32> to vector<16xf32>
        %mul3A_447 = arith.constant 11.3137083 : f32
        %mul3A_448 = vector.broadcast %mul3A_447 : f32 to vector<16xf32>
        %mul3A_449 = arith.mulf %get3A_446, %mul3A_448 : vector<16xf32>
        %swap3A_450 = arith.constant 0 : i32
        %swap3A_451 = arith.index_cast %swap3A_450 : i32 to index
        %swap3A_452 = arith.index_cast %scan3A_330 : i32 to index
        %swap3A_453 = arith.constant 112 : index
        %swap3A_454 = tpu.vector_load %arg6[%swap3A_451, %swap3A_452, %swap3A_453] {strides = array<i32>} : memref<5x128x128xf32, #tpu.memory_space<vmem>>, vector<1x1x16xf32>,
        %swap3A_455 = vector.shape_cast %swap3A_454 : vector<1x1x16xf32> to vector<16xf32>
        %swap3A_456 = vector.shape_cast %mul3A_449 : vector<16xf32> to vector<1x1x16xf32>
        tpu.vector_store %arg6[%swap3A_451, %swap3A_452, %swap3A_453], %swap3A_456 {strides = array<i32>} : memref<5x128x128xf32, #tpu.memory_space<vmem>>, vector<1x1x16xf32>,
        %scan3A_457 = arith.constant 1 : i32
        %scan3A_458 = arith.addi %scan3A_330, %scan3A_457 : i32
        %get3A_459 = arith.constant 0 : i32
        %get3A_460 = arith.index_cast %get3A_459 : i32 to index
        %get3A_461 = arith.index_cast %scan3A_458 : i32 to index
        %get3A_462 = arith.constant 0 : index
        %get3A_463 = tpu.vector_load %arg6[%get3A_460, %get3A_461, %get3A_462] {strides = array<i32>} : memref<5x128x128xf32, #tpu.memory_space<vmem>>, vector<1x1x16xf32>,
        %get3A_464 = vector.shape_cast %get3A_463 : vector<1x1x16xf32> to vector<16xf32>
        %mul3A_465 = arith.constant 11.3137083 : f32
        %mul3A_466 = vector.broadcast %mul3A_465 : f32 to vector<16xf32>
        %mul3A_467 = arith.mulf %get3A_464, %mul3A_466 : vector<16xf32>
        %swap3A_468 = arith.constant 0 : i32
        %swap3A_469 = arith.index_cast %swap3A_468 : i32 to index
        %swap3A_470 = arith.index_cast %scan3A_458 : i32 to index
        %swap3A_471 = arith.constant 0 : index
        %swap3A_472 = tpu.vector_load %arg6[%swap3A_469, %swap3A_470, %swap3A_471] {strides = array<i32>} : memref<5x128x128xf32, #tpu.memory_space<vmem>>, vector<1x1x16xf32>,
        %swap3A_473 = vector.shape_cast %swap3A_472 : vector<1x1x16xf32> to vector<16xf32>
        %swap3A_474 = vector.shape_cast %mul3A_467 : vector<16xf32> to vector<1x1x16xf32>
        tpu.vector_store %arg6[%swap3A_469, %swap3A_470, %swap3A_471], %swap3A_474 {strides = array<i32>} : memref<5x128x128xf32, #tpu.memory_space<vmem>>, vector<1x1x16xf32>,
        %get3A_475 = arith.constant 0 : i32
        %get3A_476 = arith.index_cast %get3A_475 : i32 to index
        %get3A_477 = arith.index_cast %scan3A_458 : i32 to index
        %get3A_478 = arith.constant 16 : index
        %get3A_479 = tpu.vector_load %arg6[%get3A_476, %get3A_477, %get3A_478] {strides = array<i32>} : memref<5x128x128xf32, #tpu.memory_space<vmem>>, vector<1x1x16xf32>,
        %get3A_480 = vector.shape_cast %get3A_479 : vector<1x1x16xf32> to vector<16xf32>
        %mul3A_481 = arith.constant 11.3137083 : f32
        %mul3A_482 = vector.broadcast %mul3A_481 : f32 to vector<16xf32>
        %mul3A_483 = arith.mulf %get3A_480, %mul3A_482 : vector<16xf32>
        %swap3A_484 = arith.constant 0 : i32
        %swap3A_485 = arith.index_cast %swap3A_484 : i32 to index
        %swap3A_486 = arith.index_cast %scan3A_458 : i32 to index
        %swap3A_487 = arith.constant 16 : index
        %swap3A_488 = tpu.vector_load %arg6[%swap3A_485, %swap3A_486, %swap3A_487] {strides = array<i32>} : memref<5x128x128xf32, #tpu.memory_space<vmem>>, vector<1x1x16xf32>,
        %swap3A_489 = vector.shape_cast %swap3A_488 : vector<1x1x16xf32> to vector<16xf32>
        %swap3A_490 = vector.shape_cast %mul3A_483 : vector<16xf32> to vector<1x1x16xf32>
        tpu.vector_store %arg6[%swap3A_485, %swap3A_486, %swap3A_487], %swap3A_490 {strides = array<i32>} : memref<5x128x128xf32, #tpu.memory_space<vmem>>, vector<1x1x16xf32>,
        %get3A_491 = arith.constant 0 : i32
        %get3A_492 = arith.index_cast %get3A_491 : i32 to index
        %get3A_493 = arith.index_cast %scan3A_458 : i32 to index
        %get3A_494 = arith.constant 32 : index
        %get3A_495 = tpu.vector_load %arg6[%get3A_492, %get3A_493, %get3A_494] {strides = array<i32>} : memref<5x128x128xf32, #tpu.memory_space<vmem>>, vector<1x1x16xf32>,
        %get3A_496 = vector.shape_cast %get3A_495 : vector<1x1x16xf32> to vector<16xf32>
        %mul3A_497 = arith.constant 11.3137083 : f32
        %mul3A_498 = vector.broadcast %mul3A_497 : f32 to vector<16xf32>
        %mul3A_499 = arith.mulf %get3A_496, %mul3A_498 : vector<16xf32>
        %swap3A_500 = arith.constant 0 : i32
        %swap3A_501 = arith.index_cast %swap3A_500 : i32 to index
        %swap3A_502 = arith.index_cast %scan3A_458 : i32 to index
        %swap3A_503 = arith.constant 32 : index
        %swap3A_504 = tpu.vector_load %arg6[%swap3A_501, %swap3A_502, %swap3A_503] {strides = array<i32>} : memref<5x128x128xf32, #tpu.memory_space<vmem>>, vector<1x1x16xf32>,
        %swap3A_505 = vector.shape_cast %swap3A_504 : vector<1x1x16xf32> to vector<16xf32>
        %swap3A_506 = vector.shape_cast %mul3A_499 : vector<16xf32> to vector<1x1x16xf32>
        tpu.vector_store %arg6[%swap3A_501, %swap3A_502, %swap3A_503], %swap3A_506 {strides = array<i32>} : memref<5x128x128xf32, #tpu.memory_space<vmem>>, vector<1x1x16xf32>,
        %get3A_507 = arith.constant 0 : i32
        %get3A_508 = arith.index_cast %get3A_507 : i32 to index
        %get3A_509 = arith.index_cast %scan3A_458 : i32 to index
        %get3A_510 = arith.constant 48 : index
        %get3A_511 = tpu.vector_load %arg6[%get3A_508, %get3A_509, %get3A_510] {strides = array<i32>} : memref<5x128x128xf32, #tpu.memory_space<vmem>>, vector<1x1x16xf32>,
        %get3A_512 = vector.shape_cast %get3A_511 : vector<1x1x16xf32> to vector<16xf32>
        %mul3A_513 = arith.constant 11.3137083 : f32
        %mul3A_514 = vector.broadcast %mul3A_513 : f32 to vector<16xf32>
        %mul3A_515 = arith.mulf %get3A_512, %mul3A_514 : vector<16xf32>
        %swap3A_516 = arith.constant 0 : i32
        %swap3A_517 = arith.index_cast %swap3A_516 : i32 to index
        %swap3A_518 = arith.index_cast %scan3A_458 : i32 to index
        %swap3A_519 = arith.constant 48 : index
        %swap3A_520 = tpu.vector_load %arg6[%swap3A_517, %swap3A_518, %swap3A_519] {strides = array<i32>} : memref<5x128x128xf32, #tpu.memory_space<vmem>>, vector<1x1x16xf32>,
        %swap3A_521 = vector.shape_cast %swap3A_520 : vector<1x1x16xf32> to vector<16xf32>
        %swap3A_522 = vector.shape_cast %mul3A_515 : vector<16xf32> to vector<1x1x16xf32>
        tpu.vector_store %arg6[%swap3A_517, %swap3A_518, %swap3A_519], %swap3A_522 {strides = array<i32>} : memref<5x128x128xf32, #tpu.memory_space<vmem>>, vector<1x1x16xf32>,
        %get3A_523 = arith.constant 0 : i32
        %get3A_524 = arith.index_cast %get3A_523 : i32 to index
        %get3A_525 = arith.index_cast %scan3A_458 : i32 to index
        %get3A_526 = arith.constant 64 : index
        %get3A_527 = tpu.vector_load %arg6[%get3A_524, %get3A_525, %get3A_526] {strides = array<i32>} : memref<5x128x128xf32, #tpu.memory_space<vmem>>, vector<1x1x16xf32>,
        %get3A_528 = vector.shape_cast %get3A_527 : vector<1x1x16xf32> to vector<16xf32>
        %mul3A_529 = arith.constant 11.3137083 : f32
        %mul3A_530 = vector.broadcast %mul3A_529 : f32 to vector<16xf32>
        %mul3A_531 = arith.mulf %get3A_528, %mul3A_530 : vector<16xf32>
        %swap3A_532 = arith.constant 0 : i32
        %swap3A_533 = arith.index_cast %swap3A_532 : i32 to index
        %swap3A_534 = arith.index_cast %scan3A_458 : i32 to index
        %swap3A_535 = arith.constant 64 : index
        %swap3A_536 = tpu.vector_load %arg6[%swap3A_533, %swap3A_534, %swap3A_535] {strides = array<i32>} : memref<5x128x128xf32, #tpu.memory_space<vmem>>, vector<1x1x16xf32>,
        %swap3A_537 = vector.shape_cast %swap3A_536 : vector<1x1x16xf32> to vector<16xf32>
        %swap3A_538 = vector.shape_cast %mul3A_531 : vector<16xf32> to vector<1x1x16xf32>
        tpu.vector_store %arg6[%swap3A_533, %swap3A_534, %swap3A_535], %swap3A_538 {strides = array<i32>} : memref<5x128x128xf32, #tpu.memory_space<vmem>>, vector<1x1x16xf32>,
        %get3A_539 = arith.constant 0 : i32
        %get3A_540 = arith.index_cast %get3A_539 : i32 to index
        %get3A_541 = arith.index_cast %scan3A_458 : i32 to index
        %get3A_542 = arith.constant 80 : index
        %get3A_543 = tpu.vector_load %arg6[%get3A_540, %get3A_541, %get3A_542] {strides = array<i32>} : memref<5x128x128xf32, #tpu.memory_space<vmem>>, vector<1x1x16xf32>,
        %get3A_544 = vector.shape_cast %get3A_543 : vector<1x1x16xf32> to vector<16xf32>
        %mul3A_545 = arith.constant 11.3137083 : f32
        %mul3A_546 = vector.broadcast %mul3A_545 : f32 to vector<16xf32>
        %mul3A_547 = arith.mulf %get3A_544, %mul3A_546 : vector<16xf32>
        %swap3A_548 = arith.constant 0 : i32
        %swap3A_549 = arith.index_cast %swap3A_548 : i32 to index
        %swap3A_550 = arith.index_cast %scan3A_458 : i32 to index
        %swap3A_551 = arith.constant 80 : index
        %swap3A_552 = tpu.vector_load %arg6[%swap3A_549, %swap3A_550, %swap3A_551] {strides = array<i32>} : memref<5x128x128xf32, #tpu.memory_space<vmem>>, vector<1x1x16xf32>,
        %swap3A_553 = vector.shape_cast %swap3A_552 : vector<1x1x16xf32> to vector<16xf32>
        %swap3A_554 = vector.shape_cast %mul3A_547 : vector<16xf32> to vector<1x1x16xf32>
        tpu.vector_store %arg6[%swap3A_549, %swap3A_550, %swap3A_551], %swap3A_554 {strides = array<i32>} : memref<5x128x128xf32, #tpu.memory_space<vmem>>, vector<1x1x16xf32>,
        %get3A_555 = arith.constant 0 : i32
        %get3A_556 = arith.index_cast %get3A_555 : i32 to index
        %get3A_557 = arith.index_cast %scan3A_458 : i32 to index
        %get3A_558 = arith.constant 96 : index
        %get3A_559 = tpu.vector_load %arg6[%get3A_556, %get3A_557, %get3A_558] {strides = array<i32>} : memref<5x128x128xf32, #tpu.memory_space<vmem>>, vector<1x1x16xf32>,
        %get3A_560 = vector.shape_cast %get3A_559 : vector<1x1x16xf32> to vector<16xf32>
        %mul3A_561 = arith.constant 11.3137083 : f32
        %mul3A_562 = vector.broadcast %mul3A_561 : f32 to vector<16xf32>
        %mul3A_563 = arith.mulf %get3A_560, %mul3A_562 : vector<16xf32>
        %swap3A_564 = arith.constant 0 : i32
        %swap3A_565 = arith.index_cast %swap3A_564 : i32 to index
        %swap3A_566 = arith.index_cast %scan3A_458 : i32 to index
        %swap3A_567 = arith.constant 96 : index
        %swap3A_568 = tpu.vector_load %arg6[%swap3A_565, %swap3A_566, %swap3A_567] {strides = array<i32>} : memref<5x128x128xf32, #tpu.memory_space<vmem>>, vector<1x1x16xf32>,
        %swap3A_569 = vector.shape_cast %swap3A_568 : vector<1x1x16xf32> to vector<16xf32>
        %swap3A_570 = vector.shape_cast %mul3A_563 : vector<16xf32> to vector<1x1x16xf32>
        tpu.vector_store %arg6[%swap3A_565, %swap3A_566, %swap3A_567], %swap3A_570 {strides = array<i32>} : memref<5x128x128xf32, #tpu.memory_space<vmem>>, vector<1x1x16xf32>,
        %get3A_571 = arith.constant 0 : i32
        %get3A_572 = arith.index_cast %get3A_571 : i32 to index
        %get3A_573 = arith.index_cast %scan3A_458 : i32 to index
        %get3A_574 = arith.constant 112 : index
        %get3A_575 = tpu.vector_load %arg6[%get3A_572, %get3A_573, %get3A_574] {strides = array<i32>} : memref<5x128x128xf32, #tpu.memory_space<vmem>>, vector<1x1x16xf32>,
        %get3A_576 = vector.shape_cast %get3A_575 : vector<1x1x16xf32> to vector<16xf32>
        %mul3A_577 = arith.constant 11.3137083 : f32
        %mul3A_578 = vector.broadcast %mul3A_577 : f32 to vector<16xf32>
        %mul3A_579 = arith.mulf %get3A_576, %mul3A_578 : vector<16xf32>
        %swap3A_580 = arith.constant 0 : i32
        %swap3A_581 = arith.index_cast %swap3A_580 : i32 to index
        %swap3A_582 = arith.index_cast %scan3A_458 : i32 to index
        %swap3A_583 = arith.constant 112 : index
        %swap3A_584 = tpu.vector_load %arg6[%swap3A_581, %swap3A_582, %swap3A_583] {strides = array<i32>} : memref<5x128x128xf32, #tpu.memory_space<vmem>>, vector<1x1x16xf32>,
        %swap3A_585 = vector.shape_cast %swap3A_584 : vector<1x1x16xf32> to vector<16xf32>
        %swap3A_586 = vector.shape_cast %mul3A_579 : vector<16xf32> to vector<1x1x16xf32>
        tpu.vector_store %arg6[%swap3A_581, %swap3A_582, %swap3A_583], %swap3A_586 {strides = array<i32>} : memref<5x128x128xf32, #tpu.memory_space<vmem>>, vector<1x1x16xf32>,
      }
      %scan3A_107 = arith.constant 128 : i32
      %mul3A_108 = arith.constant 50 : i32
      %mul3A_109 = arith.muli %add3A, %mul3A_108 : i32
      %add3A_110 = arith.addi %mul3A_109, %add3A_82 : i32
      %mul3A_111 = arith.constant 128 : i32
      %mul3A_112 = arith.muli %add3A_110, %mul3A_111 : i32
      %dma_start3A_113 = arith.constant 0 : i32
      %dma_start3A_114 = arith.constant 0 : i32
      %dma_start3A_115 = arith.constant 0 : i32
      %dma_start3A_116 = tpu.memref_slice %arg6[%dma_start3A_113, %dma_start3A_114, %dma_start3A_115] : memref<5x128x128xf32, #tpu.memory_space<vmem>> -> memref<1x128x128xf32, #tpu.memory_space<vmem>>
      %dma_start3A_117 = tpu.memref_squeeze %dma_start3A_116 : memref<1x128x128xf32, #tpu.memory_space<vmem>> -> memref<128x128xf32, #tpu.memory_space<vmem>>
      %dma_start3A_118 = arith.constant 0 : i32
      %dma_start3A_119 = tpu.memref_slice %arg4[%mul3A_112, %dma_start3A_118] : memref<204800x128xf32, #tpu.memory_space<hbm>> -> memref<128x128xf32, #tpu.memory_space<hbm>>
      %dma_start3A_120 = arith.constant 0 : i32
      %dma_start3A_121 = tpu.memref_slice %arg4[%mul3A_112, %dma_start3A_120] : memref<204800x128xf32, #tpu.memory_space<hbm>> -> memref<128x128xf32, #tpu.memory_space<hbm>>
      %dma_start3A_122 = arith.constant 0 : i32
      %dma_start3A_123 = arith.constant 0 : i32
      %dma_start3A_124 = tpu.memref_slice %arg6[%dma_start3A_113, %dma_start3A_122, %dma_start3A_123] : memref<5x128x128xf32, #tpu.memory_space<vmem>> -> memref<1x128x128xf32, #tpu.memory_space<vmem>>
      %dma_start3A_125 = tpu.memref_squeeze %dma_start3A_124 : memref<1x128x128xf32, #tpu.memory_space<vmem>> -> memref<128x128xf32, #tpu.memory_space<vmem>>
      tpu.enqueue_dma source(%dma_start3A_125 : memref<128x128xf32, #tpu.memory_space<vmem>>) target(%dma_start3A_121 : memref<128x128xf32, #tpu.memory_space<hbm>>) target_semaphore(%arg12 : memref<!tpu.dma_semaphore, #tpu.memory_space<semaphore_mem>>)
      %mul3A_126 = arith.constant 5 : i32
      %mul3A_127 = arith.muli %mul3A_126, %scan3A_78 : i32
      %add3A_128 = arith.constant 1 : i32
      %add3A_129 = arith.addi %mul3A_127, %add3A_128 : i32
      %ge3A_130 = arith.constant 2 : i32
      %ge3A_131 = arith.cmpi sge, %add3A_129, %ge3A_130 : i32
      %convert_element_type3A_132 = arith.extui %ge3A_131 : i1 to i32
      %cond3A_133 = arith.constant 0 : i32
      %cond3A_134 = arith.cmpi ne, %convert_element_type3A_132, %cond3A_133 : i32
      scf.if %cond3A_134 {
        %mul3A_330 = arith.constant 50 : i32
        %mul3A_331 = arith.muli %add3A, %mul3A_330 : i32
        %add3A_332 = arith.constant 0 : i32
        %add3A_333 = arith.addi %mul3A_331, %add3A_332 : i32
        %mul3A_334 = arith.constant 128 : i32
        %mul3A_335 = arith.muli %add3A_333, %mul3A_334 : i32
        %dma_wait3A_336 = arith.constant 4 : i32
        %dma_wait3A_337 = arith.constant 0 : i32
        %dma_wait3A_338 = arith.constant 0 : i32
        %dma_wait3A_339 = tpu.memref_slice %arg6[%dma_wait3A_336, %dma_wait3A_337, %dma_wait3A_338] : memref<5x128x128xf32, #tpu.memory_space<vmem>> -> memref<1x128x128xf32, #tpu.memory_space<vmem>>
        %dma_wait3A_340 = tpu.memref_squeeze %dma_wait3A_339 : memref<1x128x128xf32, #tpu.memory_space<vmem>> -> memref<128x128xf32, #tpu.memory_space<vmem>>
        %dma_wait3A_341 = arith.constant 0 : i32
        %dma_wait3A_342 = tpu.memref_slice %arg4[%mul3A_335, %dma_wait3A_341] : memref<204800x128xf32, #tpu.memory_space<hbm>> -> memref<128x128xf32, #tpu.memory_space<hbm>>
        %dma_wait3A_343 = arith.constant 0 : i32
        %dma_wait3A_344 = tpu.memref_slice %arg4[%mul3A_335, %dma_wait3A_343] : memref<204800x128xf32, #tpu.memory_space<hbm>> -> memref<128x128xf32, #tpu.memory_space<hbm>>
        %dma_wait3A_345 = arith.constant 0 : i32
        %dma_wait3A_346 = arith.constant 0 : i32
        %dma_wait3A_347 = tpu.memref_slice %arg6[%dma_wait3A_336, %dma_wait3A_345, %dma_wait3A_346] : memref<5x128x128xf32, #tpu.memory_space<vmem>> -> memref<1x128x128xf32, #tpu.memory_space<vmem>>
        %dma_wait3A_348 = tpu.memref_squeeze %dma_wait3A_347 : memref<1x128x128xf32, #tpu.memory_space<vmem>> -> memref<128x128xf32, #tpu.memory_space<vmem>>
        tpu.wait_dma2 semaphore(%arg16 : memref<!tpu.dma_semaphore, #tpu.memory_space<semaphore_mem>>) src(%dma_wait3A_348 : memref<128x128xf32, #tpu.memory_space<vmem>>) dst(%dma_wait3A_344 : memref<128x128xf32, #tpu.memory_space<hbm>>)
      } else {
      }
      %add3A_135 = arith.constant 3 : i32
      %add3A_136 = arith.addi %add3A_129, %add3A_135 : i32
      %lt3A_137 = arith.constant 50 : i32
      %lt3A_138 = arith.cmpi slt, %add3A_136, %lt3A_137 : i32
      %convert_element_type3A_139 = arith.extui %lt3A_138 : i1 to i32
      %cond3A_140 = arith.constant 0 : i32
      %cond3A_141 = arith.cmpi ne, %convert_element_type3A_139, %cond3A_140 : i32
      scf.if %cond3A_141 {
        %add3A_330 = arith.constant 3 : i32
        %add3A_331 = arith.addi %add3A_129, %add3A_330 : i32
        %dma_start3A_332 = arith.constant 4 : i32
        %dma_start3A_333 = arith.constant 0 : i32
        %dma_start3A_334 = arith.constant 0 : i32
        %dma_start3A_335 = tpu.memref_slice %arg6[%dma_start3A_332, %dma_start3A_333, %dma_start3A_334] : memref<5x128x128xf32, #tpu.memory_space<vmem>> -> memref<1x128x128xf32, #tpu.memory_space<vmem>>
        %dma_start3A_336 = tpu.memref_squeeze %dma_start3A_335 : memref<1x128x128xf32, #tpu.memory_space<vmem>> -> memref<128x128xf32, #tpu.memory_space<vmem>>
        %dma_start3A_337 = arith.constant 0 : i32
        %dma_start3A_338 = tpu.memref_slice %arg5[%add3A_331, %dma_start3A_337] : memref<50x128xi32, #tpu.memory_space<vmem>> -> memref<1x128xi32, #tpu.memory_space<vmem>>
        %dma_start3A_339 = tpu.memref_squeeze %dma_start3A_338 : memref<1x128xi32, #tpu.memory_space<vmem>> -> memref<128xi32, #tpu.memory_space<vmem>>
        %dma_start3A_340 = arith.constant 0 : i32
        %dma_start3A_341 = arith.constant 0 : i32
        %dma_start3A_342 = tpu.memref_slice %arg3[%dma_start3A_340, %dma_start3A_341] : memref<100000x128xf32, #tpu.memory_space<hbm>> -> memref<100000x128xf32, #tpu.memory_space<hbm>>
        tpu.enqueue_indirect_dma source(%dma_start3A_342 : memref<100000x128xf32, #tpu.memory_space<hbm>>) target(%dma_start3A_336 : memref<128x128xf32, #tpu.memory_space<vmem>>) offsets(%dma_start3A_339 : memref<128xi32, #tpu.memory_space<vmem>>) semaphore(%arg11 : memref<!tpu.dma_semaphore, #tpu.memory_space<semaphore_mem>>)
      } else {
      }
      %dma_wait3A_142 = arith.constant 1 : i32
      %dma_wait3A_143 = arith.constant 0 : i32
      %dma_wait3A_144 = arith.constant 0 : i32
      %dma_wait3A_145 = tpu.memref_slice %arg6[%dma_wait3A_142, %dma_wait3A_143, %dma_wait3A_144] : memref<5x128x128xf32, #tpu.memory_space<vmem>> -> memref<1x128x128xf32, #tpu.memory_space<vmem>>
      %dma_wait3A_146 = tpu.memref_squeeze %dma_wait3A_145 : memref<1x128x128xf32, #tpu.memory_space<vmem>> -> memref<128x128xf32, #tpu.memory_space<vmem>>
      %dma_wait3A_147 = arith.constant 0 : i32
      %dma_wait3A_148 = tpu.memref_slice %arg5[%add3A_129, %dma_wait3A_147] : memref<50x128xi32, #tpu.memory_space<vmem>> -> memref<1x128xi32, #tpu.memory_space<vmem>>
      %dma_wait3A_149 = tpu.memref_squeeze %dma_wait3A_148 : memref<1x128xi32, #tpu.memory_space<vmem>> -> memref<128xi32, #tpu.memory_space<vmem>>
      %dma_wait3A_150 = arith.constant 0 : i32
      %dma_wait3A_151 = arith.constant 0 : i32
      %dma_wait3A_152 = tpu.memref_slice %arg3[%dma_wait3A_150, %dma_wait3A_151] : memref<100000x128xf32, #tpu.memory_space<hbm>> -> memref<100000x128xf32, #tpu.memory_space<hbm>>
      tpu.wait_indirect_dma semaphore(%arg8 : memref<!tpu.dma_semaphore, #tpu.memory_space<semaphore_mem>>) src(%dma_wait3A_152 : memref<100000x128xf32, #tpu.memory_space<hbm>>) dst(%dma_wait3A_146 : memref<128x128xf32, #tpu.memory_space<vmem>>)
      %scan3A_153 = arith.constant 0 : i32
      %scan3A_154 = arith.constant 0 : i32
      %scan3A_155 = arith.constant 128 : i32
      %scan3A_156 = arith.addi %scan3A_154, %scan3A_155 : i32
      %scan3A_157 = arith.constant 2 : i32
      scf.for %scan3A_330 = %scan3A_154 to %scan3A_156 step %scan3A_157  : i32 {
        %get3A = arith.constant 1 : i32
        %get3A_331 = arith.index_cast %get3A : i32 to index
        %get3A_332 = arith.index_cast %scan3A_330 : i32 to index
        %get3A_333 = arith.constant 0 : index
        %get3A_334 = tpu.vector_load %arg6[%get3A_331, %get3A_332, %get3A_333] {strides = array<i32>} : memref<5x128x128xf32, #tpu.memory_space<vmem>>, vector<1x1x16xf32>,
        %get3A_335 = vector.shape_cast %get3A_334 : vector<1x1x16xf32> to vector<16xf32>
        %mul3A_336 = arith.constant 11.3137083 : f32
        %mul3A_337 = vector.broadcast %mul3A_336 : f32 to vector<16xf32>
        %mul3A_338 = arith.mulf %get3A_335, %mul3A_337 : vector<16xf32>
        %swap3A = arith.constant 1 : i32
        %swap3A_339 = arith.index_cast %swap3A : i32 to index
        %swap3A_340 = arith.index_cast %scan3A_330 : i32 to index
        %swap3A_341 = arith.constant 0 : index
        %swap3A_342 = tpu.vector_load %arg6[%swap3A_339, %swap3A_340, %swap3A_341] {strides = array<i32>} : memref<5x128x128xf32, #tpu.memory_space<vmem>>, vector<1x1x16xf32>,
        %swap3A_343 = vector.shape_cast %swap3A_342 : vector<1x1x16xf32> to vector<16xf32>
        %swap3A_344 = vector.shape_cast %mul3A_338 : vector<16xf32> to vector<1x1x16xf32>
        tpu.vector_store %arg6[%swap3A_339, %swap3A_340, %swap3A_341], %swap3A_344 {strides = array<i32>} : memref<5x128x128xf32, #tpu.memory_space<vmem>>, vector<1x1x16xf32>,
        %get3A_345 = arith.constant 1 : i32
        %get3A_346 = arith.index_cast %get3A_345 : i32 to index
        %get3A_347 = arith.index_cast %scan3A_330 : i32 to index
        %get3A_348 = arith.constant 16 : index
        %get3A_349 = tpu.vector_load %arg6[%get3A_346, %get3A_347, %get3A_348] {strides = array<i32>} : memref<5x128x128xf32, #tpu.memory_space<vmem>>, vector<1x1x16xf32>,
        %get3A_350 = vector.shape_cast %get3A_349 : vector<1x1x16xf32> to vector<16xf32>
        %mul3A_351 = arith.constant 11.3137083 : f32
        %mul3A_352 = vector.broadcast %mul3A_351 : f32 to vector<16xf32>
        %mul3A_353 = arith.mulf %get3A_350, %mul3A_352 : vector<16xf32>
        %swap3A_354 = arith.constant 1 : i32
        %swap3A_355 = arith.index_cast %swap3A_354 : i32 to index
        %swap3A_356 = arith.index_cast %scan3A_330 : i32 to index
        %swap3A_357 = arith.constant 16 : index
        %swap3A_358 = tpu.vector_load %arg6[%swap3A_355, %swap3A_356, %swap3A_357] {strides = array<i32>} : memref<5x128x128xf32, #tpu.memory_space<vmem>>, vector<1x1x16xf32>,
        %swap3A_359 = vector.shape_cast %swap3A_358 : vector<1x1x16xf32> to vector<16xf32>
        %swap3A_360 = vector.shape_cast %mul3A_353 : vector<16xf32> to vector<1x1x16xf32>
        tpu.vector_store %arg6[%swap3A_355, %swap3A_356, %swap3A_357], %swap3A_360 {strides = array<i32>} : memref<5x128x128xf32, #tpu.memory_space<vmem>>, vector<1x1x16xf32>,
        %get3A_361 = arith.constant 1 : i32
        %get3A_362 = arith.index_cast %get3A_361 : i32 to index
        %get3A_363 = arith.index_cast %scan3A_330 : i32 to index
        %get3A_364 = arith.constant 32 : index
        %get3A_365 = tpu.vector_load %arg6[%get3A_362, %get3A_363, %get3A_364] {strides = array<i32>} : memref<5x128x128xf32, #tpu.memory_space<vmem>>, vector<1x1x16xf32>,
        %get3A_366 = vector.shape_cast %get3A_365 : vector<1x1x16xf32> to vector<16xf32>
        %mul3A_367 = arith.constant 11.3137083 : f32
        %mul3A_368 = vector.broadcast %mul3A_367 : f32 to vector<16xf32>
        %mul3A_369 = arith.mulf %get3A_366, %mul3A_368 : vector<16xf32>
        %swap3A_370 = arith.constant 1 : i32
        %swap3A_371 = arith.index_cast %swap3A_370 : i32 to index
        %swap3A_372 = arith.index_cast %scan3A_330 : i32 to index
        %swap3A_373 = arith.constant 32 : index
        %swap3A_374 = tpu.vector_load %arg6[%swap3A_371, %swap3A_372, %swap3A_373] {strides = array<i32>} : memref<5x128x128xf32, #tpu.memory_space<vmem>>, vector<1x1x16xf32>,
        %swap3A_375 = vector.shape_cast %swap3A_374 : vector<1x1x16xf32> to vector<16xf32>
        %swap3A_376 = vector.shape_cast %mul3A_369 : vector<16xf32> to vector<1x1x16xf32>
        tpu.vector_store %arg6[%swap3A_371, %swap3A_372, %swap3A_373], %swap3A_376 {strides = array<i32>} : memref<5x128x128xf32, #tpu.memory_space<vmem>>, vector<1x1x16xf32>,
        %get3A_377 = arith.constant 1 : i32
        %get3A_378 = arith.index_cast %get3A_377 : i32 to index
        %get3A_379 = arith.index_cast %scan3A_330 : i32 to index
        %get3A_380 = arith.constant 48 : index
        %get3A_381 = tpu.vector_load %arg6[%get3A_378, %get3A_379, %get3A_380] {strides = array<i32>} : memref<5x128x128xf32, #tpu.memory_space<vmem>>, vector<1x1x16xf32>,
        %get3A_382 = vector.shape_cast %get3A_381 : vector<1x1x16xf32> to vector<16xf32>
        %mul3A_383 = arith.constant 11.3137083 : f32
        %mul3A_384 = vector.broadcast %mul3A_383 : f32 to vector<16xf32>
        %mul3A_385 = arith.mulf %get3A_382, %mul3A_384 : vector<16xf32>
        %swap3A_386 = arith.constant 1 : i32
        %swap3A_387 = arith.index_cast %swap3A_386 : i32 to index
        %swap3A_388 = arith.index_cast %scan3A_330 : i32 to index
        %swap3A_389 = arith.constant 48 : index
        %swap3A_390 = tpu.vector_load %arg6[%swap3A_387, %swap3A_388, %swap3A_389] {strides = array<i32>} : memref<5x128x128xf32, #tpu.memory_space<vmem>>, vector<1x1x16xf32>,
        %swap3A_391 = vector.shape_cast %swap3A_390 : vector<1x1x16xf32> to vector<16xf32>
        %swap3A_392 = vector.shape_cast %mul3A_385 : vector<16xf32> to vector<1x1x16xf32>
        tpu.vector_store %arg6[%swap3A_387, %swap3A_388, %swap3A_389], %swap3A_392 {strides = array<i32>} : memref<5x128x128xf32, #tpu.memory_space<vmem>>, vector<1x1x16xf32>,
        %get3A_393 = arith.constant 1 : i32
        %get3A_394 = arith.index_cast %get3A_393 : i32 to index
        %get3A_395 = arith.index_cast %scan3A_330 : i32 to index
        %get3A_396 = arith.constant 64 : index
        %get3A_397 = tpu.vector_load %arg6[%get3A_394, %get3A_395, %get3A_396] {strides = array<i32>} : memref<5x128x128xf32, #tpu.memory_space<vmem>>, vector<1x1x16xf32>,
        %get3A_398 = vector.shape_cast %get3A_397 : vector<1x1x16xf32> to vector<16xf32>
        %mul3A_399 = arith.constant 11.3137083 : f32
        %mul3A_400 = vector.broadcast %mul3A_399 : f32 to vector<16xf32>
        %mul3A_401 = arith.mulf %get3A_398, %mul3A_400 : vector<16xf32>
        %swap3A_402 = arith.constant 1 : i32
        %swap3A_403 = arith.index_cast %swap3A_402 : i32 to index
        %swap3A_404 = arith.index_cast %scan3A_330 : i32 to index
        %swap3A_405 = arith.constant 64 : index
        %swap3A_406 = tpu.vector_load %arg6[%swap3A_403, %swap3A_404, %swap3A_405] {strides = array<i32>} : memref<5x128x128xf32, #tpu.memory_space<vmem>>, vector<1x1x16xf32>,
        %swap3A_407 = vector.shape_cast %swap3A_406 : vector<1x1x16xf32> to vector<16xf32>
        %swap3A_408 = vector.shape_cast %mul3A_401 : vector<16xf32> to vector<1x1x16xf32>
        tpu.vector_store %arg6[%swap3A_403, %swap3A_404, %swap3A_405], %swap3A_408 {strides = array<i32>} : memref<5x128x128xf32, #tpu.memory_space<vmem>>, vector<1x1x16xf32>,
        %get3A_409 = arith.constant 1 : i32
        %get3A_410 = arith.index_cast %get3A_409 : i32 to index
        %get3A_411 = arith.index_cast %scan3A_330 : i32 to index
        %get3A_412 = arith.constant 80 : index
        %get3A_413 = tpu.vector_load %arg6[%get3A_410, %get3A_411, %get3A_412] {strides = array<i32>} : memref<5x128x128xf32, #tpu.memory_space<vmem>>, vector<1x1x16xf32>,
        %get3A_414 = vector.shape_cast %get3A_413 : vector<1x1x16xf32> to vector<16xf32>
        %mul3A_415 = arith.constant 11.3137083 : f32
        %mul3A_416 = vector.broadcast %mul3A_415 : f32 to vector<16xf32>
        %mul3A_417 = arith.mulf %get3A_414, %mul3A_416 : vector<16xf32>
        %swap3A_418 = arith.constant 1 : i32
        %swap3A_419 = arith.index_cast %swap3A_418 : i32 to index
        %swap3A_420 = arith.index_cast %scan3A_330 : i32 to index
        %swap3A_421 = arith.constant 80 : index
        %swap3A_422 = tpu.vector_load %arg6[%swap3A_419, %swap3A_420, %swap3A_421] {strides = array<i32>} : memref<5x128x128xf32, #tpu.memory_space<vmem>>, vector<1x1x16xf32>,
        %swap3A_423 = vector.shape_cast %swap3A_422 : vector<1x1x16xf32> to vector<16xf32>
        %swap3A_424 = vector.shape_cast %mul3A_417 : vector<16xf32> to vector<1x1x16xf32>
        tpu.vector_store %arg6[%swap3A_419, %swap3A_420, %swap3A_421], %swap3A_424 {strides = array<i32>} : memref<5x128x128xf32, #tpu.memory_space<vmem>>, vector<1x1x16xf32>,
        %get3A_425 = arith.constant 1 : i32
        %get3A_426 = arith.index_cast %get3A_425 : i32 to index
        %get3A_427 = arith.index_cast %scan3A_330 : i32 to index
        %get3A_428 = arith.constant 96 : index
        %get3A_429 = tpu.vector_load %arg6[%get3A_426, %get3A_427, %get3A_428] {strides = array<i32>} : memref<5x128x128xf32, #tpu.memory_space<vmem>>, vector<1x1x16xf32>,
        %get3A_430 = vector.shape_cast %get3A_429 : vector<1x1x16xf32> to vector<16xf32>
        %mul3A_431 = arith.constant 11.3137083 : f32
        %mul3A_432 = vector.broadcast %mul3A_431 : f32 to vector<16xf32>
        %mul3A_433 = arith.mulf %get3A_430, %mul3A_432 : vector<16xf32>
        %swap3A_434 = arith.constant 1 : i32
        %swap3A_435 = arith.index_cast %swap3A_434 : i32 to index
        %swap3A_436 = arith.index_cast %scan3A_330 : i32 to index
        %swap3A_437 = arith.constant 96 : index
        %swap3A_438 = tpu.vector_load %arg6[%swap3A_435, %swap3A_436, %swap3A_437] {strides = array<i32>} : memref<5x128x128xf32, #tpu.memory_space<vmem>>, vector<1x1x16xf32>,
        %swap3A_439 = vector.shape_cast %swap3A_438 : vector<1x1x16xf32> to vector<16xf32>
        %swap3A_440 = vector.shape_cast %mul3A_433 : vector<16xf32> to vector<1x1x16xf32>
        tpu.vector_store %arg6[%swap3A_435, %swap3A_436, %swap3A_437], %swap3A_440 {strides = array<i32>} : memref<5x128x128xf32, #tpu.memory_space<vmem>>, vector<1x1x16xf32>,
        %get3A_441 = arith.constant 1 : i32
        %get3A_442 = arith.index_cast %get3A_441 : i32 to index
        %get3A_443 = arith.index_cast %scan3A_330 : i32 to index
        %get3A_444 = arith.constant 112 : index
        %get3A_445 = tpu.vector_load %arg6[%get3A_442, %get3A_443, %get3A_444] {strides = array<i32>} : memref<5x128x128xf32, #tpu.memory_space<vmem>>, vector<1x1x16xf32>,
        %get3A_446 = vector.shape_cast %get3A_445 : vector<1x1x16xf32> to vector<16xf32>
        %mul3A_447 = arith.constant 11.3137083 : f32
        %mul3A_448 = vector.broadcast %mul3A_447 : f32 to vector<16xf32>
        %mul3A_449 = arith.mulf %get3A_446, %mul3A_448 : vector<16xf32>
        %swap3A_450 = arith.constant 1 : i32
        %swap3A_451 = arith.index_cast %swap3A_450 : i32 to index
        %swap3A_452 = arith.index_cast %scan3A_330 : i32 to index
        %swap3A_453 = arith.constant 112 : index
        %swap3A_454 = tpu.vector_load %arg6[%swap3A_451, %swap3A_452, %swap3A_453] {strides = array<i32>} : memref<5x128x128xf32, #tpu.memory_space<vmem>>, vector<1x1x16xf32>,
        %swap3A_455 = vector.shape_cast %swap3A_454 : vector<1x1x16xf32> to vector<16xf32>
        %swap3A_456 = vector.shape_cast %mul3A_449 : vector<16xf32> to vector<1x1x16xf32>
        tpu.vector_store %arg6[%swap3A_451, %swap3A_452, %swap3A_453], %swap3A_456 {strides = array<i32>} : memref<5x128x128xf32, #tpu.memory_space<vmem>>, vector<1x1x16xf32>,
        %scan3A_457 = arith.constant 1 : i32
        %scan3A_458 = arith.addi %scan3A_330, %scan3A_457 : i32
        %get3A_459 = arith.constant 1 : i32
        %get3A_460 = arith.index_cast %get3A_459 : i32 to index
        %get3A_461 = arith.index_cast %scan3A_458 : i32 to index
        %get3A_462 = arith.constant 0 : index
        %get3A_463 = tpu.vector_load %arg6[%get3A_460, %get3A_461, %get3A_462] {strides = array<i32>} : memref<5x128x128xf32, #tpu.memory_space<vmem>>, vector<1x1x16xf32>,
        %get3A_464 = vector.shape_cast %get3A_463 : vector<1x1x16xf32> to vector<16xf32>
        %mul3A_465 = arith.constant 11.3137083 : f32
        %mul3A_466 = vector.broadcast %mul3A_465 : f32 to vector<16xf32>
        %mul3A_467 = arith.mulf %get3A_464, %mul3A_466 : vector<16xf32>
        %swap3A_468 = arith.constant 1 : i32
        %swap3A_469 = arith.index_cast %swap3A_468 : i32 to index
        %swap3A_470 = arith.index_cast %scan3A_458 : i32 to index
        %swap3A_471 = arith.constant 0 : index
        %swap3A_472 = tpu.vector_load %arg6[%swap3A_469, %swap3A_470, %swap3A_471] {strides = array<i32>} : memref<5x128x128xf32, #tpu.memory_space<vmem>>, vector<1x1x16xf32>,
        %swap3A_473 = vector.shape_cast %swap3A_472 : vector<1x1x16xf32> to vector<16xf32>
        %swap3A_474 = vector.shape_cast %mul3A_467 : vector<16xf32> to vector<1x1x16xf32>
        tpu.vector_store %arg6[%swap3A_469, %swap3A_470, %swap3A_471], %swap3A_474 {strides = array<i32>} : memref<5x128x128xf32, #tpu.memory_space<vmem>>, vector<1x1x16xf32>,
        %get3A_475 = arith.constant 1 : i32
        %get3A_476 = arith.index_cast %get3A_475 : i32 to index
        %get3A_477 = arith.index_cast %scan3A_458 : i32 to index
        %get3A_478 = arith.constant 16 : index
        %get3A_479 = tpu.vector_load %arg6[%get3A_476, %get3A_477, %get3A_478] {strides = array<i32>} : memref<5x128x128xf32, #tpu.memory_space<vmem>>, vector<1x1x16xf32>,
        %get3A_480 = vector.shape_cast %get3A_479 : vector<1x1x16xf32> to vector<16xf32>
        %mul3A_481 = arith.constant 11.3137083 : f32
        %mul3A_482 = vector.broadcast %mul3A_481 : f32 to vector<16xf32>
        %mul3A_483 = arith.mulf %get3A_480, %mul3A_482 : vector<16xf32>
        %swap3A_484 = arith.constant 1 : i32
        %swap3A_485 = arith.index_cast %swap3A_484 : i32 to index
        %swap3A_486 = arith.index_cast %scan3A_458 : i32 to index
        %swap3A_487 = arith.constant 16 : index
        %swap3A_488 = tpu.vector_load %arg6[%swap3A_485, %swap3A_486, %swap3A_487] {strides = array<i32>} : memref<5x128x128xf32, #tpu.memory_space<vmem>>, vector<1x1x16xf32>,
        %swap3A_489 = vector.shape_cast %swap3A_488 : vector<1x1x16xf32> to vector<16xf32>
        %swap3A_490 = vector.shape_cast %mul3A_483 : vector<16xf32> to vector<1x1x16xf32>
        tpu.vector_store %arg6[%swap3A_485, %swap3A_486, %swap3A_487], %swap3A_490 {strides = array<i32>} : memref<5x128x128xf32, #tpu.memory_space<vmem>>, vector<1x1x16xf32>,
        %get3A_491 = arith.constant 1 : i32
        %get3A_492 = arith.index_cast %get3A_491 : i32 to index
        %get3A_493 = arith.index_cast %scan3A_458 : i32 to index
        %get3A_494 = arith.constant 32 : index
        %get3A_495 = tpu.vector_load %arg6[%get3A_492, %get3A_493, %get3A_494] {strides = array<i32>} : memref<5x128x128xf32, #tpu.memory_space<vmem>>, vector<1x1x16xf32>,
        %get3A_496 = vector.shape_cast %get3A_495 : vector<1x1x16xf32> to vector<16xf32>
        %mul3A_497 = arith.constant 11.3137083 : f32
        %mul3A_498 = vector.broadcast %mul3A_497 : f32 to vector<16xf32>
        %mul3A_499 = arith.mulf %get3A_496, %mul3A_498 : vector<16xf32>
        %swap3A_500 = arith.constant 1 : i32
        %swap3A_501 = arith.index_cast %swap3A_500 : i32 to index
        %swap3A_502 = arith.index_cast %scan3A_458 : i32 to index
        %swap3A_503 = arith.constant 32 : index
        %swap3A_504 = tpu.vector_load %arg6[%swap3A_501, %swap3A_502, %swap3A_503] {strides = array<i32>} : memref<5x128x128xf32, #tpu.memory_space<vmem>>, vector<1x1x16xf32>,
        %swap3A_505 = vector.shape_cast %swap3A_504 : vector<1x1x16xf32> to vector<16xf32>
        %swap3A_506 = vector.shape_cast %mul3A_499 : vector<16xf32> to vector<1x1x16xf32>
        tpu.vector_store %arg6[%swap3A_501, %swap3A_502, %swap3A_503], %swap3A_506 {strides = array<i32>} : memref<5x128x128xf32, #tpu.memory_space<vmem>>, vector<1x1x16xf32>,
        %get3A_507 = arith.constant 1 : i32
        %get3A_508 = arith.index_cast %get3A_507 : i32 to index
        %get3A_509 = arith.index_cast %scan3A_458 : i32 to index
        %get3A_510 = arith.constant 48 : index
        %get3A_511 = tpu.vector_load %arg6[%get3A_508, %get3A_509, %get3A_510] {strides = array<i32>} : memref<5x128x128xf32, #tpu.memory_space<vmem>>, vector<1x1x16xf32>,
        %get3A_512 = vector.shape_cast %get3A_511 : vector<1x1x16xf32> to vector<16xf32>
        %mul3A_513 = arith.constant 11.3137083 : f32
        %mul3A_514 = vector.broadcast %mul3A_513 : f32 to vector<16xf32>
        %mul3A_515 = arith.mulf %get3A_512, %mul3A_514 : vector<16xf32>
        %swap3A_516 = arith.constant 1 : i32
        %swap3A_517 = arith.index_cast %swap3A_516 : i32 to index
        %swap3A_518 = arith.index_cast %scan3A_458 : i32 to index
        %swap3A_519 = arith.constant 48 : index
        %swap3A_520 = tpu.vector_load %arg6[%swap3A_517, %swap3A_518, %swap3A_519] {strides = array<i32>} : memref<5x128x128xf32, #tpu.memory_space<vmem>>, vector<1x1x16xf32>,
        %swap3A_521 = vector.shape_cast %swap3A_520 : vector<1x1x16xf32> to vector<16xf32>
        %swap3A_522 = vector.shape_cast %mul3A_515 : vector<16xf32> to vector<1x1x16xf32>
        tpu.vector_store %arg6[%swap3A_517, %swap3A_518, %swap3A_519], %swap3A_522 {strides = array<i32>} : memref<5x128x128xf32, #tpu.memory_space<vmem>>, vector<1x1x16xf32>,
        %get3A_523 = arith.constant 1 : i32
        %get3A_524 = arith.index_cast %get3A_523 : i32 to index
        %get3A_525 = arith.index_cast %scan3A_458 : i32 to index
        %get3A_526 = arith.constant 64 : index
        %get3A_527 = tpu.vector_load %arg6[%get3A_524, %get3A_525, %get3A_526] {strides = array<i32>} : memref<5x128x128xf32, #tpu.memory_space<vmem>>, vector<1x1x16xf32>,
        %get3A_528 = vector.shape_cast %get3A_527 : vector<1x1x16xf32> to vector<16xf32>
        %mul3A_529 = arith.constant 11.3137083 : f32
        %mul3A_530 = vector.broadcast %mul3A_529 : f32 to vector<16xf32>
        %mul3A_531 = arith.mulf %get3A_528, %mul3A_530 : vector<16xf32>
        %swap3A_532 = arith.constant 1 : i32
        %swap3A_533 = arith.index_cast %swap3A_532 : i32 to index
        %swap3A_534 = arith.index_cast %scan3A_458 : i32 to index
        %swap3A_535 = arith.constant 64 : index
        %swap3A_536 = tpu.vector_load %arg6[%swap3A_533, %swap3A_534, %swap3A_535] {strides = array<i32>} : memref<5x128x128xf32, #tpu.memory_space<vmem>>, vector<1x1x16xf32>,
        %swap3A_537 = vector.shape_cast %swap3A_536 : vector<1x1x16xf32> to vector<16xf32>
        %swap3A_538 = vector.shape_cast %mul3A_531 : vector<16xf32> to vector<1x1x16xf32>
        tpu.vector_store %arg6[%swap3A_533, %swap3A_534, %swap3A_535], %swap3A_538 {strides = array<i32>} : memref<5x128x128xf32, #tpu.memory_space<vmem>>, vector<1x1x16xf32>,
        %get3A_539 = arith.constant 1 : i32
        %get3A_540 = arith.index_cast %get3A_539 : i32 to index
        %get3A_541 = arith.index_cast %scan3A_458 : i32 to index
        %get3A_542 = arith.constant 80 : index
        %get3A_543 = tpu.vector_load %arg6[%get3A_540, %get3A_541, %get3A_542] {strides = array<i32>} : memref<5x128x128xf32, #tpu.memory_space<vmem>>, vector<1x1x16xf32>,
        %get3A_544 = vector.shape_cast %get3A_543 : vector<1x1x16xf32> to vector<16xf32>
        %mul3A_545 = arith.constant 11.3137083 : f32
        %mul3A_546 = vector.broadcast %mul3A_545 : f32 to vector<16xf32>
        %mul3A_547 = arith.mulf %get3A_544, %mul3A_546 : vector<16xf32>
        %swap3A_548 = arith.constant 1 : i32
        %swap3A_549 = arith.index_cast %swap3A_548 : i32 to index
        %swap3A_550 = arith.index_cast %scan3A_458 : i32 to index
        %swap3A_551 = arith.constant 80 : index
        %swap3A_552 = tpu.vector_load %arg6[%swap3A_549, %swap3A_550, %swap3A_551] {strides = array<i32>} : memref<5x128x128xf32, #tpu.memory_space<vmem>>, vector<1x1x16xf32>,
        %swap3A_553 = vector.shape_cast %swap3A_552 : vector<1x1x16xf32> to vector<16xf32>
        %swap3A_554 = vector.shape_cast %mul3A_547 : vector<16xf32> to vector<1x1x16xf32>
        tpu.vector_store %arg6[%swap3A_549, %swap3A_550, %swap3A_551], %swap3A_554 {strides = array<i32>} : memref<5x128x128xf32, #tpu.memory_space<vmem>>, vector<1x1x16xf32>,
        %get3A_555 = arith.constant 1 : i32
        %get3A_556 = arith.index_cast %get3A_555 : i32 to index
        %get3A_557 = arith.index_cast %scan3A_458 : i32 to index
        %get3A_558 = arith.constant 96 : index
        %get3A_559 = tpu.vector_load %arg6[%get3A_556, %get3A_557, %get3A_558] {strides = array<i32>} : memref<5x128x128xf32, #tpu.memory_space<vmem>>, vector<1x1x16xf32>,
        %get3A_560 = vector.shape_cast %get3A_559 : vector<1x1x16xf32> to vector<16xf32>
        %mul3A_561 = arith.constant 11.3137083 : f32
        %mul3A_562 = vector.broadcast %mul3A_561 : f32 to vector<16xf32>
        %mul3A_563 = arith.mulf %get3A_560, %mul3A_562 : vector<16xf32>
        %swap3A_564 = arith.constant 1 : i32
        %swap3A_565 = arith.index_cast %swap3A_564 : i32 to index
        %swap3A_566 = arith.index_cast %scan3A_458 : i32 to index
        %swap3A_567 = arith.constant 96 : index
        %swap3A_568 = tpu.vector_load %arg6[%swap3A_565, %swap3A_566, %swap3A_567] {strides = array<i32>} : memref<5x128x128xf32, #tpu.memory_space<vmem>>, vector<1x1x16xf32>,
        %swap3A_569 = vector.shape_cast %swap3A_568 : vector<1x1x16xf32> to vector<16xf32>
        %swap3A_570 = vector.shape_cast %mul3A_563 : vector<16xf32> to vector<1x1x16xf32>
        tpu.vector_store %arg6[%swap3A_565, %swap3A_566, %swap3A_567], %swap3A_570 {strides = array<i32>} : memref<5x128x128xf32, #tpu.memory_space<vmem>>, vector<1x1x16xf32>,
        %get3A_571 = arith.constant 1 : i32
        %get3A_572 = arith.index_cast %get3A_571 : i32 to index
        %get3A_573 = arith.index_cast %scan3A_458 : i32 to index
        %get3A_574 = arith.constant 112 : index
        %get3A_575 = tpu.vector_load %arg6[%get3A_572, %get3A_573, %get3A_574] {strides = array<i32>} : memref<5x128x128xf32, #tpu.memory_space<vmem>>, vector<1x1x16xf32>,
        %get3A_576 = vector.shape_cast %get3A_575 : vector<1x1x16xf32> to vector<16xf32>
        %mul3A_577 = arith.constant 11.3137083 : f32
        %mul3A_578 = vector.broadcast %mul3A_577 : f32 to vector<16xf32>
        %mul3A_579 = arith.mulf %get3A_576, %mul3A_578 : vector<16xf32>
        %swap3A_580 = arith.constant 1 : i32
        %swap3A_581 = arith.index_cast %swap3A_580 : i32 to index
        %swap3A_582 = arith.index_cast %scan3A_458 : i32 to index
        %swap3A_583 = arith.constant 112 : index
        %swap3A_584 = tpu.vector_load %arg6[%swap3A_581, %swap3A_582, %swap3A_583] {strides = array<i32>} : memref<5x128x128xf32, #tpu.memory_space<vmem>>, vector<1x1x16xf32>,
        %swap3A_585 = vector.shape_cast %swap3A_584 : vector<1x1x16xf32> to vector<16xf32>
        %swap3A_586 = vector.shape_cast %mul3A_579 : vector<16xf32> to vector<1x1x16xf32>
        tpu.vector_store %arg6[%swap3A_581, %swap3A_582, %swap3A_583], %swap3A_586 {strides = array<i32>} : memref<5x128x128xf32, #tpu.memory_space<vmem>>, vector<1x1x16xf32>,
      }
      %scan3A_158 = arith.constant 128 : i32
      %mul3A_159 = arith.constant 50 : i32
      %mul3A_160 = arith.muli %add3A, %mul3A_159 : i32
      %add3A_161 = arith.addi %mul3A_160, %add3A_129 : i32
      %mul3A_162 = arith.constant 128 : i32
      %mul3A_163 = arith.muli %add3A_161, %mul3A_162 : i32
      %dma_start3A_164 = arith.constant 1 : i32
      %dma_start3A_165 = arith.constant 0 : i32
      %dma_start3A_166 = arith.constant 0 : i32
      %dma_start3A_167 = tpu.memref_slice %arg6[%dma_start3A_164, %dma_start3A_165, %dma_start3A_166] : memref<5x128x128xf32, #tpu.memory_space<vmem>> -> memref<1x128x128xf32, #tpu.memory_space<vmem>>
      %dma_start3A_168 = tpu.memref_squeeze %dma_start3A_167 : memref<1x128x128xf32, #tpu.memory_space<vmem>> -> memref<128x128xf32, #tpu.memory_space<vmem>>
      %dma_start3A_169 = arith.constant 0 : i32
      %dma_start3A_170 = tpu.memref_slice %arg4[%mul3A_163, %dma_start3A_169] : memref<204800x128xf32, #tpu.memory_space<hbm>> -> memref<128x128xf32, #tpu.memory_space<hbm>>
      %dma_start3A_171 = arith.constant 0 : i32
      %dma_start3A_172 = tpu.memref_slice %arg4[%mul3A_163, %dma_start3A_171] : memref<204800x128xf32, #tpu.memory_space<hbm>> -> memref<128x128xf32, #tpu.memory_space<hbm>>
      %dma_start3A_173 = arith.constant 0 : i32
      %dma_start3A_174 = arith.constant 0 : i32
      %dma_start3A_175 = tpu.memref_slice %arg6[%dma_start3A_164, %dma_start3A_173, %dma_start3A_174] : memref<5x128x128xf32, #tpu.memory_space<vmem>> -> memref<1x128x128xf32, #tpu.memory_space<vmem>>
      %dma_start3A_176 = tpu.memref_squeeze %dma_start3A_175 : memref<1x128x128xf32, #tpu.memory_space<vmem>> -> memref<128x128xf32, #tpu.memory_space<vmem>>
      tpu.enqueue_dma source(%dma_start3A_176 : memref<128x128xf32, #tpu.memory_space<vmem>>) target(%dma_start3A_172 : memref<128x128xf32, #tpu.memory_space<hbm>>) target_semaphore(%arg13 : memref<!tpu.dma_semaphore, #tpu.memory_space<semaphore_mem>>)
      %mul3A_177 = arith.constant 5 : i32
      %mul3A_178 = arith.muli %mul3A_177, %scan3A_78 : i32
      %add3A_179 = arith.constant 2 : i32
      %add3A_180 = arith.addi %mul3A_178, %add3A_179 : i32
      %ge3A_181 = arith.constant 2 : i32
      %ge3A_182 = arith.cmpi sge, %add3A_180, %ge3A_181 : i32
      %convert_element_type3A_183 = arith.extui %ge3A_182 : i1 to i32
      %cond3A_184 = arith.constant 0 : i32
      %cond3A_185 = arith.cmpi ne, %convert_element_type3A_183, %cond3A_184 : i32
      scf.if %cond3A_185 {
        %mul3A_330 = arith.constant 50 : i32
        %mul3A_331 = arith.muli %add3A, %mul3A_330 : i32
        %add3A_332 = arith.constant 0 : i32
        %add3A_333 = arith.addi %mul3A_331, %add3A_332 : i32
        %mul3A_334 = arith.constant 128 : i32
        %mul3A_335 = arith.muli %add3A_333, %mul3A_334 : i32
        %dma_wait3A_336 = arith.constant 0 : i32
        %dma_wait3A_337 = arith.constant 0 : i32
        %dma_wait3A_338 = arith.constant 0 : i32
        %dma_wait3A_339 = tpu.memref_slice %arg6[%dma_wait3A_336, %dma_wait3A_337, %dma_wait3A_338] : memref<5x128x128xf32, #tpu.memory_space<vmem>> -> memref<1x128x128xf32, #tpu.memory_space<vmem>>
        %dma_wait3A_340 = tpu.memref_squeeze %dma_wait3A_339 : memref<1x128x128xf32, #tpu.memory_space<vmem>> -> memref<128x128xf32, #tpu.memory_space<vmem>>
        %dma_wait3A_341 = arith.constant 0 : i32
        %dma_wait3A_342 = tpu.memref_slice %arg4[%mul3A_335, %dma_wait3A_341] : memref<204800x128xf32, #tpu.memory_space<hbm>> -> memref<128x128xf32, #tpu.memory_space<hbm>>
        %dma_wait3A_343 = arith.constant 0 : i32
        %dma_wait3A_344 = tpu.memref_slice %arg4[%mul3A_335, %dma_wait3A_343] : memref<204800x128xf32, #tpu.memory_space<hbm>> -> memref<128x128xf32, #tpu.memory_space<hbm>>
        %dma_wait3A_345 = arith.constant 0 : i32
        %dma_wait3A_346 = arith.constant 0 : i32
        %dma_wait3A_347 = tpu.memref_slice %arg6[%dma_wait3A_336, %dma_wait3A_345, %dma_wait3A_346] : memref<5x128x128xf32, #tpu.memory_space<vmem>> -> memref<1x128x128xf32, #tpu.memory_space<vmem>>
        %dma_wait3A_348 = tpu.memref_squeeze %dma_wait3A_347 : memref<1x128x128xf32, #tpu.memory_space<vmem>> -> memref<128x128xf32, #tpu.memory_space<vmem>>
        tpu.wait_dma2 semaphore(%arg12 : memref<!tpu.dma_semaphore, #tpu.memory_space<semaphore_mem>>) src(%dma_wait3A_348 : memref<128x128xf32, #tpu.memory_space<vmem>>) dst(%dma_wait3A_344 : memref<128x128xf32, #tpu.memory_space<hbm>>)
      } else {
      }
      %add3A_186 = arith.constant 3 : i32
      %add3A_187 = arith.addi %add3A_180, %add3A_186 : i32
      %lt3A_188 = arith.constant 50 : i32
      %lt3A_189 = arith.cmpi slt, %add3A_187, %lt3A_188 : i32
      %convert_element_type3A_190 = arith.extui %lt3A_189 : i1 to i32
      %cond3A_191 = arith.constant 0 : i32
      %cond3A_192 = arith.cmpi ne, %convert_element_type3A_190, %cond3A_191 : i32
      scf.if %cond3A_192 {
        %add3A_330 = arith.constant 3 : i32
        %add3A_331 = arith.addi %add3A_180, %add3A_330 : i32
        %dma_start3A_332 = arith.constant 0 : i32
        %dma_start3A_333 = arith.constant 0 : i32
        %dma_start3A_334 = arith.constant 0 : i32
        %dma_start3A_335 = tpu.memref_slice %arg6[%dma_start3A_332, %dma_start3A_333, %dma_start3A_334] : memref<5x128x128xf32, #tpu.memory_space<vmem>> -> memref<1x128x128xf32, #tpu.memory_space<vmem>>
        %dma_start3A_336 = tpu.memref_squeeze %dma_start3A_335 : memref<1x128x128xf32, #tpu.memory_space<vmem>> -> memref<128x128xf32, #tpu.memory_space<vmem>>
        %dma_start3A_337 = arith.constant 0 : i32
        %dma_start3A_338 = tpu.memref_slice %arg5[%add3A_331, %dma_start3A_337] : memref<50x128xi32, #tpu.memory_space<vmem>> -> memref<1x128xi32, #tpu.memory_space<vmem>>
        %dma_start3A_339 = tpu.memref_squeeze %dma_start3A_338 : memref<1x128xi32, #tpu.memory_space<vmem>> -> memref<128xi32, #tpu.memory_space<vmem>>
        %dma_start3A_340 = arith.constant 0 : i32
        %dma_start3A_341 = arith.constant 0 : i32
        %dma_start3A_342 = tpu.memref_slice %arg3[%dma_start3A_340, %dma_start3A_341] : memref<100000x128xf32, #tpu.memory_space<hbm>> -> memref<100000x128xf32, #tpu.memory_space<hbm>>
        tpu.enqueue_indirect_dma source(%dma_start3A_342 : memref<100000x128xf32, #tpu.memory_space<hbm>>) target(%dma_start3A_336 : memref<128x128xf32, #tpu.memory_space<vmem>>) offsets(%dma_start3A_339 : memref<128xi32, #tpu.memory_space<vmem>>) semaphore(%arg7 : memref<!tpu.dma_semaphore, #tpu.memory_space<semaphore_mem>>)
      } else {
      }
      %dma_wait3A_193 = arith.constant 2 : i32
      %dma_wait3A_194 = arith.constant 0 : i32
      %dma_wait3A_195 = arith.constant 0 : i32
      %dma_wait3A_196 = tpu.memref_slice %arg6[%dma_wait3A_193, %dma_wait3A_194, %dma_wait3A_195] : memref<5x128x128xf32, #tpu.memory_space<vmem>> -> memref<1x128x128xf32, #tpu.memory_space<vmem>>
      %dma_wait3A_197 = tpu.memref_squeeze %dma_wait3A_196 : memref<1x128x128xf32, #tpu.memory_space<vmem>> -> memref<128x128xf32, #tpu.memory_space<vmem>>
      %dma_wait3A_198 = arith.constant 0 : i32
      %dma_wait3A_199 = tpu.memref_slice %arg5[%add3A_180, %dma_wait3A_198] : memref<50x128xi32, #tpu.memory_space<vmem>> -> memref<1x128xi32, #tpu.memory_space<vmem>>
      %dma_wait3A_200 = tpu.memref_squeeze %dma_wait3A_199 : memref<1x128xi32, #tpu.memory_space<vmem>> -> memref<128xi32, #tpu.memory_space<vmem>>
      %dma_wait3A_201 = arith.constant 0 : i32
      %dma_wait3A_202 = arith.constant 0 : i32
      %dma_wait3A_203 = tpu.memref_slice %arg3[%dma_wait3A_201, %dma_wait3A_202] : memref<100000x128xf32, #tpu.memory_space<hbm>> -> memref<100000x128xf32, #tpu.memory_space<hbm>>
      tpu.wait_indirect_dma semaphore(%arg9 : memref<!tpu.dma_semaphore, #tpu.memory_space<semaphore_mem>>) src(%dma_wait3A_203 : memref<100000x128xf32, #tpu.memory_space<hbm>>) dst(%dma_wait3A_197 : memref<128x128xf32, #tpu.memory_space<vmem>>)
      %scan3A_204 = arith.constant 0 : i32
      %scan3A_205 = arith.constant 0 : i32
      %scan3A_206 = arith.constant 128 : i32
      %scan3A_207 = arith.addi %scan3A_205, %scan3A_206 : i32
      %scan3A_208 = arith.constant 2 : i32
      scf.for %scan3A_330 = %scan3A_205 to %scan3A_207 step %scan3A_208  : i32 {
        %get3A = arith.constant 2 : i32
        %get3A_331 = arith.index_cast %get3A : i32 to index
        %get3A_332 = arith.index_cast %scan3A_330 : i32 to index
        %get3A_333 = arith.constant 0 : index
        %get3A_334 = tpu.vector_load %arg6[%get3A_331, %get3A_332, %get3A_333] {strides = array<i32>} : memref<5x128x128xf32, #tpu.memory_space<vmem>>, vector<1x1x16xf32>,
        %get3A_335 = vector.shape_cast %get3A_334 : vector<1x1x16xf32> to vector<16xf32>
        %mul3A_336 = arith.constant 11.3137083 : f32
        %mul3A_337 = vector.broadcast %mul3A_336 : f32 to vector<16xf32>
        %mul3A_338 = arith.mulf %get3A_335, %mul3A_337 : vector<16xf32>
        %swap3A = arith.constant 2 : i32
        %swap3A_339 = arith.index_cast %swap3A : i32 to index
        %swap3A_340 = arith.index_cast %scan3A_330 : i32 to index
        %swap3A_341 = arith.constant 0 : index
        %swap3A_342 = tpu.vector_load %arg6[%swap3A_339, %swap3A_340, %swap3A_341] {strides = array<i32>} : memref<5x128x128xf32, #tpu.memory_space<vmem>>, vector<1x1x16xf32>,
        %swap3A_343 = vector.shape_cast %swap3A_342 : vector<1x1x16xf32> to vector<16xf32>
        %swap3A_344 = vector.shape_cast %mul3A_338 : vector<16xf32> to vector<1x1x16xf32>
        tpu.vector_store %arg6[%swap3A_339, %swap3A_340, %swap3A_341], %swap3A_344 {strides = array<i32>} : memref<5x128x128xf32, #tpu.memory_space<vmem>>, vector<1x1x16xf32>,
        %get3A_345 = arith.constant 2 : i32
        %get3A_346 = arith.index_cast %get3A_345 : i32 to index
        %get3A_347 = arith.index_cast %scan3A_330 : i32 to index
        %get3A_348 = arith.constant 16 : index
        %get3A_349 = tpu.vector_load %arg6[%get3A_346, %get3A_347, %get3A_348] {strides = array<i32>} : memref<5x128x128xf32, #tpu.memory_space<vmem>>, vector<1x1x16xf32>,
        %get3A_350 = vector.shape_cast %get3A_349 : vector<1x1x16xf32> to vector<16xf32>
        %mul3A_351 = arith.constant 11.3137083 : f32
        %mul3A_352 = vector.broadcast %mul3A_351 : f32 to vector<16xf32>
        %mul3A_353 = arith.mulf %get3A_350, %mul3A_352 : vector<16xf32>
        %swap3A_354 = arith.constant 2 : i32
        %swap3A_355 = arith.index_cast %swap3A_354 : i32 to index
        %swap3A_356 = arith.index_cast %scan3A_330 : i32 to index
        %swap3A_357 = arith.constant 16 : index
        %swap3A_358 = tpu.vector_load %arg6[%swap3A_355, %swap3A_356, %swap3A_357] {strides = array<i32>} : memref<5x128x128xf32, #tpu.memory_space<vmem>>, vector<1x1x16xf32>,
        %swap3A_359 = vector.shape_cast %swap3A_358 : vector<1x1x16xf32> to vector<16xf32>
        %swap3A_360 = vector.shape_cast %mul3A_353 : vector<16xf32> to vector<1x1x16xf32>
        tpu.vector_store %arg6[%swap3A_355, %swap3A_356, %swap3A_357], %swap3A_360 {strides = array<i32>} : memref<5x128x128xf32, #tpu.memory_space<vmem>>, vector<1x1x16xf32>,
        %get3A_361 = arith.constant 2 : i32
        %get3A_362 = arith.index_cast %get3A_361 : i32 to index
        %get3A_363 = arith.index_cast %scan3A_330 : i32 to index
        %get3A_364 = arith.constant 32 : index
        %get3A_365 = tpu.vector_load %arg6[%get3A_362, %get3A_363, %get3A_364] {strides = array<i32>} : memref<5x128x128xf32, #tpu.memory_space<vmem>>, vector<1x1x16xf32>,
        %get3A_366 = vector.shape_cast %get3A_365 : vector<1x1x16xf32> to vector<16xf32>
        %mul3A_367 = arith.constant 11.3137083 : f32
        %mul3A_368 = vector.broadcast %mul3A_367 : f32 to vector<16xf32>
        %mul3A_369 = arith.mulf %get3A_366, %mul3A_368 : vector<16xf32>
        %swap3A_370 = arith.constant 2 : i32
        %swap3A_371 = arith.index_cast %swap3A_370 : i32 to index
        %swap3A_372 = arith.index_cast %scan3A_330 : i32 to index
        %swap3A_373 = arith.constant 32 : index
        %swap3A_374 = tpu.vector_load %arg6[%swap3A_371, %swap3A_372, %swap3A_373] {strides = array<i32>} : memref<5x128x128xf32, #tpu.memory_space<vmem>>, vector<1x1x16xf32>,
        %swap3A_375 = vector.shape_cast %swap3A_374 : vector<1x1x16xf32> to vector<16xf32>
        %swap3A_376 = vector.shape_cast %mul3A_369 : vector<16xf32> to vector<1x1x16xf32>
        tpu.vector_store %arg6[%swap3A_371, %swap3A_372, %swap3A_373], %swap3A_376 {strides = array<i32>} : memref<5x128x128xf32, #tpu.memory_space<vmem>>, vector<1x1x16xf32>,
        %get3A_377 = arith.constant 2 : i32
        %get3A_378 = arith.index_cast %get3A_377 : i32 to index
        %get3A_379 = arith.index_cast %scan3A_330 : i32 to index
        %get3A_380 = arith.constant 48 : index
        %get3A_381 = tpu.vector_load %arg6[%get3A_378, %get3A_379, %get3A_380] {strides = array<i32>} : memref<5x128x128xf32, #tpu.memory_space<vmem>>, vector<1x1x16xf32>,
        %get3A_382 = vector.shape_cast %get3A_381 : vector<1x1x16xf32> to vector<16xf32>
        %mul3A_383 = arith.constant 11.3137083 : f32
        %mul3A_384 = vector.broadcast %mul3A_383 : f32 to vector<16xf32>
        %mul3A_385 = arith.mulf %get3A_382, %mul3A_384 : vector<16xf32>
        %swap3A_386 = arith.constant 2 : i32
        %swap3A_387 = arith.index_cast %swap3A_386 : i32 to index
        %swap3A_388 = arith.index_cast %scan3A_330 : i32 to index
        %swap3A_389 = arith.constant 48 : index
        %swap3A_390 = tpu.vector_load %arg6[%swap3A_387, %swap3A_388, %swap3A_389] {strides = array<i32>} : memref<5x128x128xf32, #tpu.memory_space<vmem>>, vector<1x1x16xf32>,
        %swap3A_391 = vector.shape_cast %swap3A_390 : vector<1x1x16xf32> to vector<16xf32>
        %swap3A_392 = vector.shape_cast %mul3A_385 : vector<16xf32> to vector<1x1x16xf32>
        tpu.vector_store %arg6[%swap3A_387, %swap3A_388, %swap3A_389], %swap3A_392 {strides = array<i32>} : memref<5x128x128xf32, #tpu.memory_space<vmem>>, vector<1x1x16xf32>,
        %get3A_393 = arith.constant 2 : i32
        %get3A_394 = arith.index_cast %get3A_393 : i32 to index
        %get3A_395 = arith.index_cast %scan3A_330 : i32 to index
        %get3A_396 = arith.constant 64 : index
        %get3A_397 = tpu.vector_load %arg6[%get3A_394, %get3A_395, %get3A_396] {strides = array<i32>} : memref<5x128x128xf32, #tpu.memory_space<vmem>>, vector<1x1x16xf32>,
        %get3A_398 = vector.shape_cast %get3A_397 : vector<1x1x16xf32> to vector<16xf32>
        %mul3A_399 = arith.constant 11.3137083 : f32
        %mul3A_400 = vector.broadcast %mul3A_399 : f32 to vector<16xf32>
        %mul3A_401 = arith.mulf %get3A_398, %mul3A_400 : vector<16xf32>
        %swap3A_402 = arith.constant 2 : i32
        %swap3A_403 = arith.index_cast %swap3A_402 : i32 to index
        %swap3A_404 = arith.index_cast %scan3A_330 : i32 to index
        %swap3A_405 = arith.constant 64 : index
        %swap3A_406 = tpu.vector_load %arg6[%swap3A_403, %swap3A_404, %swap3A_405] {strides = array<i32>} : memref<5x128x128xf32, #tpu.memory_space<vmem>>, vector<1x1x16xf32>,
        %swap3A_407 = vector.shape_cast %swap3A_406 : vector<1x1x16xf32> to vector<16xf32>
        %swap3A_408 = vector.shape_cast %mul3A_401 : vector<16xf32> to vector<1x1x16xf32>
        tpu.vector_store %arg6[%swap3A_403, %swap3A_404, %swap3A_405], %swap3A_408 {strides = array<i32>} : memref<5x128x128xf32, #tpu.memory_space<vmem>>, vector<1x1x16xf32>,
        %get3A_409 = arith.constant 2 : i32
        %get3A_410 = arith.index_cast %get3A_409 : i32 to index
        %get3A_411 = arith.index_cast %scan3A_330 : i32 to index
        %get3A_412 = arith.constant 80 : index
        %get3A_413 = tpu.vector_load %arg6[%get3A_410, %get3A_411, %get3A_412] {strides = array<i32>} : memref<5x128x128xf32, #tpu.memory_space<vmem>>, vector<1x1x16xf32>,
        %get3A_414 = vector.shape_cast %get3A_413 : vector<1x1x16xf32> to vector<16xf32>
        %mul3A_415 = arith.constant 11.3137083 : f32
        %mul3A_416 = vector.broadcast %mul3A_415 : f32 to vector<16xf32>
        %mul3A_417 = arith.mulf %get3A_414, %mul3A_416 : vector<16xf32>
        %swap3A_418 = arith.constant 2 : i32
        %swap3A_419 = arith.index_cast %swap3A_418 : i32 to index
        %swap3A_420 = arith.index_cast %scan3A_330 : i32 to index
        %swap3A_421 = arith.constant 80 : index
        %swap3A_422 = tpu.vector_load %arg6[%swap3A_419, %swap3A_420, %swap3A_421] {strides = array<i32>} : memref<5x128x128xf32, #tpu.memory_space<vmem>>, vector<1x1x16xf32>,
        %swap3A_423 = vector.shape_cast %swap3A_422 : vector<1x1x16xf32> to vector<16xf32>
        %swap3A_424 = vector.shape_cast %mul3A_417 : vector<16xf32> to vector<1x1x16xf32>
        tpu.vector_store %arg6[%swap3A_419, %swap3A_420, %swap3A_421], %swap3A_424 {strides = array<i32>} : memref<5x128x128xf32, #tpu.memory_space<vmem>>, vector<1x1x16xf32>,
        %get3A_425 = arith.constant 2 : i32
        %get3A_426 = arith.index_cast %get3A_425 : i32 to index
        %get3A_427 = arith.index_cast %scan3A_330 : i32 to index
        %get3A_428 = arith.constant 96 : index
        %get3A_429 = tpu.vector_load %arg6[%get3A_426, %get3A_427, %get3A_428] {strides = array<i32>} : memref<5x128x128xf32, #tpu.memory_space<vmem>>, vector<1x1x16xf32>,
        %get3A_430 = vector.shape_cast %get3A_429 : vector<1x1x16xf32> to vector<16xf32>
        %mul3A_431 = arith.constant 11.3137083 : f32
        %mul3A_432 = vector.broadcast %mul3A_431 : f32 to vector<16xf32>
        %mul3A_433 = arith.mulf %get3A_430, %mul3A_432 : vector<16xf32>
        %swap3A_434 = arith.constant 2 : i32
        %swap3A_435 = arith.index_cast %swap3A_434 : i32 to index
        %swap3A_436 = arith.index_cast %scan3A_330 : i32 to index
        %swap3A_437 = arith.constant 96 : index
        %swap3A_438 = tpu.vector_load %arg6[%swap3A_435, %swap3A_436, %swap3A_437] {strides = array<i32>} : memref<5x128x128xf32, #tpu.memory_space<vmem>>, vector<1x1x16xf32>,
        %swap3A_439 = vector.shape_cast %swap3A_438 : vector<1x1x16xf32> to vector<16xf32>
        %swap3A_440 = vector.shape_cast %mul3A_433 : vector<16xf32> to vector<1x1x16xf32>
        tpu.vector_store %arg6[%swap3A_435, %swap3A_436, %swap3A_437], %swap3A_440 {strides = array<i32>} : memref<5x128x128xf32, #tpu.memory_space<vmem>>, vector<1x1x16xf32>,
        %get3A_441 = arith.constant 2 : i32
        %get3A_442 = arith.index_cast %get3A_441 : i32 to index
        %get3A_443 = arith.index_cast %scan3A_330 : i32 to index
        %get3A_444 = arith.constant 112 : index
        %get3A_445 = tpu.vector_load %arg6[%get3A_442, %get3A_443, %get3A_444] {strides = array<i32>} : memref<5x128x128xf32, #tpu.memory_space<vmem>>, vector<1x1x16xf32>,
        %get3A_446 = vector.shape_cast %get3A_445 : vector<1x1x16xf32> to vector<16xf32>
        %mul3A_447 = arith.constant 11.3137083 : f32
        %mul3A_448 = vector.broadcast %mul3A_447 : f32 to vector<16xf32>
        %mul3A_449 = arith.mulf %get3A_446, %mul3A_448 : vector<16xf32>
        %swap3A_450 = arith.constant 2 : i32
        %swap3A_451 = arith.index_cast %swap3A_450 : i32 to index
        %swap3A_452 = arith.index_cast %scan3A_330 : i32 to index
        %swap3A_453 = arith.constant 112 : index
        %swap3A_454 = tpu.vector_load %arg6[%swap3A_451, %swap3A_452, %swap3A_453] {strides = array<i32>} : memref<5x128x128xf32, #tpu.memory_space<vmem>>, vector<1x1x16xf32>,
        %swap3A_455 = vector.shape_cast %swap3A_454 : vector<1x1x16xf32> to vector<16xf32>
        %swap3A_456 = vector.shape_cast %mul3A_449 : vector<16xf32> to vector<1x1x16xf32>
        tpu.vector_store %arg6[%swap3A_451, %swap3A_452, %swap3A_453], %swap3A_456 {strides = array<i32>} : memref<5x128x128xf32, #tpu.memory_space<vmem>>, vector<1x1x16xf32>,
        %scan3A_457 = arith.constant 1 : i32
        %scan3A_458 = arith.addi %scan3A_330, %scan3A_457 : i32
        %get3A_459 = arith.constant 2 : i32
        %get3A_460 = arith.index_cast %get3A_459 : i32 to index
        %get3A_461 = arith.index_cast %scan3A_458 : i32 to index
        %get3A_462 = arith.constant 0 : index
        %get3A_463 = tpu.vector_load %arg6[%get3A_460, %get3A_461, %get3A_462] {strides = array<i32>} : memref<5x128x128xf32, #tpu.memory_space<vmem>>, vector<1x1x16xf32>,
        %get3A_464 = vector.shape_cast %get3A_463 : vector<1x1x16xf32> to vector<16xf32>
        %mul3A_465 = arith.constant 11.3137083 : f32
        %mul3A_466 = vector.broadcast %mul3A_465 : f32 to vector<16xf32>
        %mul3A_467 = arith.mulf %get3A_464, %mul3A_466 : vector<16xf32>
        %swap3A_468 = arith.constant 2 : i32
        %swap3A_469 = arith.index_cast %swap3A_468 : i32 to index
        %swap3A_470 = arith.index_cast %scan3A_458 : i32 to index
        %swap3A_471 = arith.constant 0 : index
        %swap3A_472 = tpu.vector_load %arg6[%swap3A_469, %swap3A_470, %swap3A_471] {strides = array<i32>} : memref<5x128x128xf32, #tpu.memory_space<vmem>>, vector<1x1x16xf32>,
        %swap3A_473 = vector.shape_cast %swap3A_472 : vector<1x1x16xf32> to vector<16xf32>
        %swap3A_474 = vector.shape_cast %mul3A_467 : vector<16xf32> to vector<1x1x16xf32>
        tpu.vector_store %arg6[%swap3A_469, %swap3A_470, %swap3A_471], %swap3A_474 {strides = array<i32>} : memref<5x128x128xf32, #tpu.memory_space<vmem>>, vector<1x1x16xf32>,
        %get3A_475 = arith.constant 2 : i32
        %get3A_476 = arith.index_cast %get3A_475 : i32 to index
        %get3A_477 = arith.index_cast %scan3A_458 : i32 to index
        %get3A_478 = arith.constant 16 : index
        %get3A_479 = tpu.vector_load %arg6[%get3A_476, %get3A_477, %get3A_478] {strides = array<i32>} : memref<5x128x128xf32, #tpu.memory_space<vmem>>, vector<1x1x16xf32>,
        %get3A_480 = vector.shape_cast %get3A_479 : vector<1x1x16xf32> to vector<16xf32>
        %mul3A_481 = arith.constant 11.3137083 : f32
        %mul3A_482 = vector.broadcast %mul3A_481 : f32 to vector<16xf32>
        %mul3A_483 = arith.mulf %get3A_480, %mul3A_482 : vector<16xf32>
        %swap3A_484 = arith.constant 2 : i32
        %swap3A_485 = arith.index_cast %swap3A_484 : i32 to index
        %swap3A_486 = arith.index_cast %scan3A_458 : i32 to index
        %swap3A_487 = arith.constant 16 : index
        %swap3A_488 = tpu.vector_load %arg6[%swap3A_485, %swap3A_486, %swap3A_487] {strides = array<i32>} : memref<5x128x128xf32, #tpu.memory_space<vmem>>, vector<1x1x16xf32>,
        %swap3A_489 = vector.shape_cast %swap3A_488 : vector<1x1x16xf32> to vector<16xf32>
        %swap3A_490 = vector.shape_cast %mul3A_483 : vector<16xf32> to vector<1x1x16xf32>
        tpu.vector_store %arg6[%swap3A_485, %swap3A_486, %swap3A_487], %swap3A_490 {strides = array<i32>} : memref<5x128x128xf32, #tpu.memory_space<vmem>>, vector<1x1x16xf32>,
        %get3A_491 = arith.constant 2 : i32
        %get3A_492 = arith.index_cast %get3A_491 : i32 to index
        %get3A_493 = arith.index_cast %scan3A_458 : i32 to index
        %get3A_494 = arith.constant 32 : index
        %get3A_495 = tpu.vector_load %arg6[%get3A_492, %get3A_493, %get3A_494] {strides = array<i32>} : memref<5x128x128xf32, #tpu.memory_space<vmem>>, vector<1x1x16xf32>,
        %get3A_496 = vector.shape_cast %get3A_495 : vector<1x1x16xf32> to vector<16xf32>
        %mul3A_497 = arith.constant 11.3137083 : f32
        %mul3A_498 = vector.broadcast %mul3A_497 : f32 to vector<16xf32>
        %mul3A_499 = arith.mulf %get3A_496, %mul3A_498 : vector<16xf32>
        %swap3A_500 = arith.constant 2 : i32
        %swap3A_501 = arith.index_cast %swap3A_500 : i32 to index
        %swap3A_502 = arith.index_cast %scan3A_458 : i32 to index
        %swap3A_503 = arith.constant 32 : index
        %swap3A_504 = tpu.vector_load %arg6[%swap3A_501, %swap3A_502, %swap3A_503] {strides = array<i32>} : memref<5x128x128xf32, #tpu.memory_space<vmem>>, vector<1x1x16xf32>,
        %swap3A_505 = vector.shape_cast %swap3A_504 : vector<1x1x16xf32> to vector<16xf32>
        %swap3A_506 = vector.shape_cast %mul3A_499 : vector<16xf32> to vector<1x1x16xf32>
        tpu.vector_store %arg6[%swap3A_501, %swap3A_502, %swap3A_503], %swap3A_506 {strides = array<i32>} : memref<5x128x128xf32, #tpu.memory_space<vmem>>, vector<1x1x16xf32>,
        %get3A_507 = arith.constant 2 : i32
        %get3A_508 = arith.index_cast %get3A_507 : i32 to index
        %get3A_509 = arith.index_cast %scan3A_458 : i32 to index
        %get3A_510 = arith.constant 48 : index
        %get3A_511 = tpu.vector_load %arg6[%get3A_508, %get3A_509, %get3A_510] {strides = array<i32>} : memref<5x128x128xf32, #tpu.memory_space<vmem>>, vector<1x1x16xf32>,
        %get3A_512 = vector.shape_cast %get3A_511 : vector<1x1x16xf32> to vector<16xf32>
        %mul3A_513 = arith.constant 11.3137083 : f32
        %mul3A_514 = vector.broadcast %mul3A_513 : f32 to vector<16xf32>
        %mul3A_515 = arith.mulf %get3A_512, %mul3A_514 : vector<16xf32>
        %swap3A_516 = arith.constant 2 : i32
        %swap3A_517 = arith.index_cast %swap3A_516 : i32 to index
        %swap3A_518 = arith.index_cast %scan3A_458 : i32 to index
        %swap3A_519 = arith.constant 48 : index
        %swap3A_520 = tpu.vector_load %arg6[%swap3A_517, %swap3A_518, %swap3A_519] {strides = array<i32>} : memref<5x128x128xf32, #tpu.memory_space<vmem>>, vector<1x1x16xf32>,
        %swap3A_521 = vector.shape_cast %swap3A_520 : vector<1x1x16xf32> to vector<16xf32>
        %swap3A_522 = vector.shape_cast %mul3A_515 : vector<16xf32> to vector<1x1x16xf32>
        tpu.vector_store %arg6[%swap3A_517, %swap3A_518, %swap3A_519], %swap3A_522 {strides = array<i32>} : memref<5x128x128xf32, #tpu.memory_space<vmem>>, vector<1x1x16xf32>,
        %get3A_523 = arith.constant 2 : i32
        %get3A_524 = arith.index_cast %get3A_523 : i32 to index
        %get3A_525 = arith.index_cast %scan3A_458 : i32 to index
        %get3A_526 = arith.constant 64 : index
        %get3A_527 = tpu.vector_load %arg6[%get3A_524, %get3A_525, %get3A_526] {strides = array<i32>} : memref<5x128x128xf32, #tpu.memory_space<vmem>>, vector<1x1x16xf32>,
        %get3A_528 = vector.shape_cast %get3A_527 : vector<1x1x16xf32> to vector<16xf32>
        %mul3A_529 = arith.constant 11.3137083 : f32
        %mul3A_530 = vector.broadcast %mul3A_529 : f32 to vector<16xf32>
        %mul3A_531 = arith.mulf %get3A_528, %mul3A_530 : vector<16xf32>
        %swap3A_532 = arith.constant 2 : i32
        %swap3A_533 = arith.index_cast %swap3A_532 : i32 to index
        %swap3A_534 = arith.index_cast %scan3A_458 : i32 to index
        %swap3A_535 = arith.constant 64 : index
        %swap3A_536 = tpu.vector_load %arg6[%swap3A_533, %swap3A_534, %swap3A_535] {strides = array<i32>} : memref<5x128x128xf32, #tpu.memory_space<vmem>>, vector<1x1x16xf32>,
        %swap3A_537 = vector.shape_cast %swap3A_536 : vector<1x1x16xf32> to vector<16xf32>
        %swap3A_538 = vector.shape_cast %mul3A_531 : vector<16xf32> to vector<1x1x16xf32>
        tpu.vector_store %arg6[%swap3A_533, %swap3A_534, %swap3A_535], %swap3A_538 {strides = array<i32>} : memref<5x128x128xf32, #tpu.memory_space<vmem>>, vector<1x1x16xf32>,
        %get3A_539 = arith.constant 2 : i32
        %get3A_540 = arith.index_cast %get3A_539 : i32 to index
        %get3A_541 = arith.index_cast %scan3A_458 : i32 to index
        %get3A_542 = arith.constant 80 : index
        %get3A_543 = tpu.vector_load %arg6[%get3A_540, %get3A_541, %get3A_542] {strides = array<i32>} : memref<5x128x128xf32, #tpu.memory_space<vmem>>, vector<1x1x16xf32>,
        %get3A_544 = vector.shape_cast %get3A_543 : vector<1x1x16xf32> to vector<16xf32>
        %mul3A_545 = arith.constant 11.3137083 : f32
        %mul3A_546 = vector.broadcast %mul3A_545 : f32 to vector<16xf32>
        %mul3A_547 = arith.mulf %get3A_544, %mul3A_546 : vector<16xf32>
        %swap3A_548 = arith.constant 2 : i32
        %swap3A_549 = arith.index_cast %swap3A_548 : i32 to index
        %swap3A_550 = arith.index_cast %scan3A_458 : i32 to index
        %swap3A_551 = arith.constant 80 : index
        %swap3A_552 = tpu.vector_load %arg6[%swap3A_549, %swap3A_550, %swap3A_551] {strides = array<i32>} : memref<5x128x128xf32, #tpu.memory_space<vmem>>, vector<1x1x16xf32>,
        %swap3A_553 = vector.shape_cast %swap3A_552 : vector<1x1x16xf32> to vector<16xf32>
        %swap3A_554 = vector.shape_cast %mul3A_547 : vector<16xf32> to vector<1x1x16xf32>
        tpu.vector_store %arg6[%swap3A_549, %swap3A_550, %swap3A_551], %swap3A_554 {strides = array<i32>} : memref<5x128x128xf32, #tpu.memory_space<vmem>>, vector<1x1x16xf32>,
        %get3A_555 = arith.constant 2 : i32
        %get3A_556 = arith.index_cast %get3A_555 : i32 to index
        %get3A_557 = arith.index_cast %scan3A_458 : i32 to index
        %get3A_558 = arith.constant 96 : index
        %get3A_559 = tpu.vector_load %arg6[%get3A_556, %get3A_557, %get3A_558] {strides = array<i32>} : memref<5x128x128xf32, #tpu.memory_space<vmem>>, vector<1x1x16xf32>,
        %get3A_560 = vector.shape_cast %get3A_559 : vector<1x1x16xf32> to vector<16xf32>
        %mul3A_561 = arith.constant 11.3137083 : f32
        %mul3A_562 = vector.broadcast %mul3A_561 : f32 to vector<16xf32>
        %mul3A_563 = arith.mulf %get3A_560, %mul3A_562 : vector<16xf32>
        %swap3A_564 = arith.constant 2 : i32
        %swap3A_565 = arith.index_cast %swap3A_564 : i32 to index
        %swap3A_566 = arith.index_cast %scan3A_458 : i32 to index
        %swap3A_567 = arith.constant 96 : index
        %swap3A_568 = tpu.vector_load %arg6[%swap3A_565, %swap3A_566, %swap3A_567] {strides = array<i32>} : memref<5x128x128xf32, #tpu.memory_space<vmem>>, vector<1x1x16xf32>,
        %swap3A_569 = vector.shape_cast %swap3A_568 : vector<1x1x16xf32> to vector<16xf32>
        %swap3A_570 = vector.shape_cast %mul3A_563 : vector<16xf32> to vector<1x1x16xf32>
        tpu.vector_store %arg6[%swap3A_565, %swap3A_566, %swap3A_567], %swap3A_570 {strides = array<i32>} : memref<5x128x128xf32, #tpu.memory_space<vmem>>, vector<1x1x16xf32>,
        %get3A_571 = arith.constant 2 : i32
        %get3A_572 = arith.index_cast %get3A_571 : i32 to index
        %get3A_573 = arith.index_cast %scan3A_458 : i32 to index
        %get3A_574 = arith.constant 112 : index
        %get3A_575 = tpu.vector_load %arg6[%get3A_572, %get3A_573, %get3A_574] {strides = array<i32>} : memref<5x128x128xf32, #tpu.memory_space<vmem>>, vector<1x1x16xf32>,
        %get3A_576 = vector.shape_cast %get3A_575 : vector<1x1x16xf32> to vector<16xf32>
        %mul3A_577 = arith.constant 11.3137083 : f32
        %mul3A_578 = vector.broadcast %mul3A_577 : f32 to vector<16xf32>
        %mul3A_579 = arith.mulf %get3A_576, %mul3A_578 : vector<16xf32>
        %swap3A_580 = arith.constant 2 : i32
        %swap3A_581 = arith.index_cast %swap3A_580 : i32 to index
        %swap3A_582 = arith.index_cast %scan3A_458 : i32 to index
        %swap3A_583 = arith.constant 112 : index
        %swap3A_584 = tpu.vector_load %arg6[%swap3A_581, %swap3A_582, %swap3A_583] {strides = array<i32>} : memref<5x128x128xf32, #tpu.memory_space<vmem>>, vector<1x1x16xf32>,
        %swap3A_585 = vector.shape_cast %swap3A_584 : vector<1x1x16xf32> to vector<16xf32>
        %swap3A_586 = vector.shape_cast %mul3A_579 : vector<16xf32> to vector<1x1x16xf32>
        tpu.vector_store %arg6[%swap3A_581, %swap3A_582, %swap3A_583], %swap3A_586 {strides = array<i32>} : memref<5x128x128xf32, #tpu.memory_space<vmem>>, vector<1x1x16xf32>,
      }
      %scan3A_209 = arith.constant 128 : i32
      %mul3A_210 = arith.constant 50 : i32
      %mul3A_211 = arith.muli %add3A, %mul3A_210 : i32
      %add3A_212 = arith.addi %mul3A_211, %add3A_180 : i32
      %mul3A_213 = arith.constant 128 : i32
      %mul3A_214 = arith.muli %add3A_212, %mul3A_213 : i32
      %dma_start3A_215 = arith.constant 2 : i32
      %dma_start3A_216 = arith.constant 0 : i32
      %dma_start3A_217 = arith.constant 0 : i32
      %dma_start3A_218 = tpu.memref_slice %arg6[%dma_start3A_215, %dma_start3A_216, %dma_start3A_217] : memref<5x128x128xf32, #tpu.memory_space<vmem>> -> memref<1x128x128xf32, #tpu.memory_space<vmem>>
      %dma_start3A_219 = tpu.memref_squeeze %dma_start3A_218 : memref<1x128x128xf32, #tpu.memory_space<vmem>> -> memref<128x128xf32, #tpu.memory_space<vmem>>
      %dma_start3A_220 = arith.constant 0 : i32
      %dma_start3A_221 = tpu.memref_slice %arg4[%mul3A_214, %dma_start3A_220] : memref<204800x128xf32, #tpu.memory_space<hbm>> -> memref<128x128xf32, #tpu.memory_space<hbm>>
      %dma_start3A_222 = arith.constant 0 : i32
      %dma_start3A_223 = tpu.memref_slice %arg4[%mul3A_214, %dma_start3A_222] : memref<204800x128xf32, #tpu.memory_space<hbm>> -> memref<128x128xf32, #tpu.memory_space<hbm>>
      %dma_start3A_224 = arith.constant 0 : i32
      %dma_start3A_225 = arith.constant 0 : i32
      %dma_start3A_226 = tpu.memref_slice %arg6[%dma_start3A_215, %dma_start3A_224, %dma_start3A_225] : memref<5x128x128xf32, #tpu.memory_space<vmem>> -> memref<1x128x128xf32, #tpu.memory_space<vmem>>
      %dma_start3A_227 = tpu.memref_squeeze %dma_start3A_226 : memref<1x128x128xf32, #tpu.memory_space<vmem>> -> memref<128x128xf32, #tpu.memory_space<vmem>>
      tpu.enqueue_dma source(%dma_start3A_227 : memref<128x128xf32, #tpu.memory_space<vmem>>) target(%dma_start3A_223 : memref<128x128xf32, #tpu.memory_space<hbm>>) target_semaphore(%arg14 : memref<!tpu.dma_semaphore, #tpu.memory_space<semaphore_mem>>)
      %mul3A_228 = arith.constant 5 : i32
      %mul3A_229 = arith.muli %mul3A_228, %scan3A_78 : i32
      %add3A_230 = arith.constant 3 : i32
      %add3A_231 = arith.addi %mul3A_229, %add3A_230 : i32
      %ge3A_232 = arith.constant 2 : i32
      %ge3A_233 = arith.cmpi sge, %add3A_231, %ge3A_232 : i32
      %convert_element_type3A_234 = arith.extui %ge3A_233 : i1 to i32
      %cond3A_235 = arith.constant 0 : i32
      %cond3A_236 = arith.cmpi ne, %convert_element_type3A_234, %cond3A_235 : i32
      scf.if %cond3A_236 {
        %mul3A_330 = arith.constant 50 : i32
        %mul3A_331 = arith.muli %add3A, %mul3A_330 : i32
        %add3A_332 = arith.constant 0 : i32
        %add3A_333 = arith.addi %mul3A_331, %add3A_332 : i32
        %mul3A_334 = arith.constant 128 : i32
        %mul3A_335 = arith.muli %add3A_333, %mul3A_334 : i32
        %dma_wait3A_336 = arith.constant 1 : i32
        %dma_wait3A_337 = arith.constant 0 : i32
        %dma_wait3A_338 = arith.constant 0 : i32
        %dma_wait3A_339 = tpu.memref_slice %arg6[%dma_wait3A_336, %dma_wait3A_337, %dma_wait3A_338] : memref<5x128x128xf32, #tpu.memory_space<vmem>> -> memref<1x128x128xf32, #tpu.memory_space<vmem>>
        %dma_wait3A_340 = tpu.memref_squeeze %dma_wait3A_339 : memref<1x128x128xf32, #tpu.memory_space<vmem>> -> memref<128x128xf32, #tpu.memory_space<vmem>>
        %dma_wait3A_341 = arith.constant 0 : i32
        %dma_wait3A_342 = tpu.memref_slice %arg4[%mul3A_335, %dma_wait3A_341] : memref<204800x128xf32, #tpu.memory_space<hbm>> -> memref<128x128xf32, #tpu.memory_space<hbm>>
        %dma_wait3A_343 = arith.constant 0 : i32
        %dma_wait3A_344 = tpu.memref_slice %arg4[%mul3A_335, %dma_wait3A_343] : memref<204800x128xf32, #tpu.memory_space<hbm>> -> memref<128x128xf32, #tpu.memory_space<hbm>>
        %dma_wait3A_345 = arith.constant 0 : i32
        %dma_wait3A_346 = arith.constant 0 : i32
        %dma_wait3A_347 = tpu.memref_slice %arg6[%dma_wait3A_336, %dma_wait3A_345, %dma_wait3A_346] : memref<5x128x128xf32, #tpu.memory_space<vmem>> -> memref<1x128x128xf32, #tpu.memory_space<vmem>>
        %dma_wait3A_348 = tpu.memref_squeeze %dma_wait3A_347 : memref<1x128x128xf32, #tpu.memory_space<vmem>> -> memref<128x128xf32, #tpu.memory_space<vmem>>
        tpu.wait_dma2 semaphore(%arg13 : memref<!tpu.dma_semaphore, #tpu.memory_space<semaphore_mem>>) src(%dma_wait3A_348 : memref<128x128xf32, #tpu.memory_space<vmem>>) dst(%dma_wait3A_344 : memref<128x128xf32, #tpu.memory_space<hbm>>)
      } else {
      }
      %add3A_237 = arith.constant 3 : i32
      %add3A_238 = arith.addi %add3A_231, %add3A_237 : i32
      %lt3A_239 = arith.constant 50 : i32
      %lt3A_240 = arith.cmpi slt, %add3A_238, %lt3A_239 : i32
      %convert_element_type3A_241 = arith.extui %lt3A_240 : i1 to i32
      %cond3A_242 = arith.constant 0 : i32
      %cond3A_243 = arith.cmpi ne, %convert_element_type3A_241, %cond3A_242 : i32
      scf.if %cond3A_243 {
        %add3A_330 = arith.constant 3 : i32
        %add3A_331 = arith.addi %add3A_231, %add3A_330 : i32
        %dma_start3A_332 = arith.constant 1 : i32
        %dma_start3A_333 = arith.constant 0 : i32
        %dma_start3A_334 = arith.constant 0 : i32
        %dma_start3A_335 = tpu.memref_slice %arg6[%dma_start3A_332, %dma_start3A_333, %dma_start3A_334] : memref<5x128x128xf32, #tpu.memory_space<vmem>> -> memref<1x128x128xf32, #tpu.memory_space<vmem>>
        %dma_start3A_336 = tpu.memref_squeeze %dma_start3A_335 : memref<1x128x128xf32, #tpu.memory_space<vmem>> -> memref<128x128xf32, #tpu.memory_space<vmem>>
        %dma_start3A_337 = arith.constant 0 : i32
        %dma_start3A_338 = tpu.memref_slice %arg5[%add3A_331, %dma_start3A_337] : memref<50x128xi32, #tpu.memory_space<vmem>> -> memref<1x128xi32, #tpu.memory_space<vmem>>
        %dma_start3A_339 = tpu.memref_squeeze %dma_start3A_338 : memref<1x128xi32, #tpu.memory_space<vmem>> -> memref<128xi32, #tpu.memory_space<vmem>>
        %dma_start3A_340 = arith.constant 0 : i32
        %dma_start3A_341 = arith.constant 0 : i32
        %dma_start3A_342 = tpu.memref_slice %arg3[%dma_start3A_340, %dma_start3A_341] : memref<100000x128xf32, #tpu.memory_space<hbm>> -> memref<100000x128xf32, #tpu.memory_space<hbm>>
        tpu.enqueue_indirect_dma source(%dma_start3A_342 : memref<100000x128xf32, #tpu.memory_space<hbm>>) target(%dma_start3A_336 : memref<128x128xf32, #tpu.memory_space<vmem>>) offsets(%dma_start3A_339 : memref<128xi32, #tpu.memory_space<vmem>>) semaphore(%arg8 : memref<!tpu.dma_semaphore, #tpu.memory_space<semaphore_mem>>)
      } else {
      }
      %dma_wait3A_244 = arith.constant 3 : i32
      %dma_wait3A_245 = arith.constant 0 : i32
      %dma_wait3A_246 = arith.constant 0 : i32
      %dma_wait3A_247 = tpu.memref_slice %arg6[%dma_wait3A_244, %dma_wait3A_245, %dma_wait3A_246] : memref<5x128x128xf32, #tpu.memory_space<vmem>> -> memref<1x128x128xf32, #tpu.memory_space<vmem>>
      %dma_wait3A_248 = tpu.memref_squeeze %dma_wait3A_247 : memref<1x128x128xf32, #tpu.memory_space<vmem>> -> memref<128x128xf32, #tpu.memory_space<vmem>>
      %dma_wait3A_249 = arith.constant 0 : i32
      %dma_wait3A_250 = tpu.memref_slice %arg5[%add3A_231, %dma_wait3A_249] : memref<50x128xi32, #tpu.memory_space<vmem>> -> memref<1x128xi32, #tpu.memory_space<vmem>>
      %dma_wait3A_251 = tpu.memref_squeeze %dma_wait3A_250 : memref<1x128xi32, #tpu.memory_space<vmem>> -> memref<128xi32, #tpu.memory_space<vmem>>
      %dma_wait3A_252 = arith.constant 0 : i32
      %dma_wait3A_253 = arith.constant 0 : i32
      %dma_wait3A_254 = tpu.memref_slice %arg3[%dma_wait3A_252, %dma_wait3A_253] : memref<100000x128xf32, #tpu.memory_space<hbm>> -> memref<100000x128xf32, #tpu.memory_space<hbm>>
      tpu.wait_indirect_dma semaphore(%arg10 : memref<!tpu.dma_semaphore, #tpu.memory_space<semaphore_mem>>) src(%dma_wait3A_254 : memref<100000x128xf32, #tpu.memory_space<hbm>>) dst(%dma_wait3A_248 : memref<128x128xf32, #tpu.memory_space<vmem>>)
      %scan3A_255 = arith.constant 0 : i32
      %scan3A_256 = arith.constant 0 : i32
      %scan3A_257 = arith.constant 128 : i32
      %scan3A_258 = arith.addi %scan3A_256, %scan3A_257 : i32
      %scan3A_259 = arith.constant 2 : i32
      scf.for %scan3A_330 = %scan3A_256 to %scan3A_258 step %scan3A_259  : i32 {
        %get3A = arith.constant 3 : i32
        %get3A_331 = arith.index_cast %get3A : i32 to index
        %get3A_332 = arith.index_cast %scan3A_330 : i32 to index
        %get3A_333 = arith.constant 0 : index
        %get3A_334 = tpu.vector_load %arg6[%get3A_331, %get3A_332, %get3A_333] {strides = array<i32>} : memref<5x128x128xf32, #tpu.memory_space<vmem>>, vector<1x1x16xf32>,
        %get3A_335 = vector.shape_cast %get3A_334 : vector<1x1x16xf32> to vector<16xf32>
        %mul3A_336 = arith.constant 11.3137083 : f32
        %mul3A_337 = vector.broadcast %mul3A_336 : f32 to vector<16xf32>
        %mul3A_338 = arith.mulf %get3A_335, %mul3A_337 : vector<16xf32>
        %swap3A = arith.constant 3 : i32
        %swap3A_339 = arith.index_cast %swap3A : i32 to index
        %swap3A_340 = arith.index_cast %scan3A_330 : i32 to index
        %swap3A_341 = arith.constant 0 : index
        %swap3A_342 = tpu.vector_load %arg6[%swap3A_339, %swap3A_340, %swap3A_341] {strides = array<i32>} : memref<5x128x128xf32, #tpu.memory_space<vmem>>, vector<1x1x16xf32>,
        %swap3A_343 = vector.shape_cast %swap3A_342 : vector<1x1x16xf32> to vector<16xf32>
        %swap3A_344 = vector.shape_cast %mul3A_338 : vector<16xf32> to vector<1x1x16xf32>
        tpu.vector_store %arg6[%swap3A_339, %swap3A_340, %swap3A_341], %swap3A_344 {strides = array<i32>} : memref<5x128x128xf32, #tpu.memory_space<vmem>>, vector<1x1x16xf32>,
        %get3A_345 = arith.constant 3 : i32
        %get3A_346 = arith.index_cast %get3A_345 : i32 to index
        %get3A_347 = arith.index_cast %scan3A_330 : i32 to index
        %get3A_348 = arith.constant 16 : index
        %get3A_349 = tpu.vector_load %arg6[%get3A_346, %get3A_347, %get3A_348] {strides = array<i32>} : memref<5x128x128xf32, #tpu.memory_space<vmem>>, vector<1x1x16xf32>,
        %get3A_350 = vector.shape_cast %get3A_349 : vector<1x1x16xf32> to vector<16xf32>
        %mul3A_351 = arith.constant 11.3137083 : f32
        %mul3A_352 = vector.broadcast %mul3A_351 : f32 to vector<16xf32>
        %mul3A_353 = arith.mulf %get3A_350, %mul3A_352 : vector<16xf32>
        %swap3A_354 = arith.constant 3 : i32
        %swap3A_355 = arith.index_cast %swap3A_354 : i32 to index
        %swap3A_356 = arith.index_cast %scan3A_330 : i32 to index
        %swap3A_357 = arith.constant 16 : index
        %swap3A_358 = tpu.vector_load %arg6[%swap3A_355, %swap3A_356, %swap3A_357] {strides = array<i32>} : memref<5x128x128xf32, #tpu.memory_space<vmem>>, vector<1x1x16xf32>,
        %swap3A_359 = vector.shape_cast %swap3A_358 : vector<1x1x16xf32> to vector<16xf32>
        %swap3A_360 = vector.shape_cast %mul3A_353 : vector<16xf32> to vector<1x1x16xf32>
        tpu.vector_store %arg6[%swap3A_355, %swap3A_356, %swap3A_357], %swap3A_360 {strides = array<i32>} : memref<5x128x128xf32, #tpu.memory_space<vmem>>, vector<1x1x16xf32>,
        %get3A_361 = arith.constant 3 : i32
        %get3A_362 = arith.index_cast %get3A_361 : i32 to index
        %get3A_363 = arith.index_cast %scan3A_330 : i32 to index
        %get3A_364 = arith.constant 32 : index
        %get3A_365 = tpu.vector_load %arg6[%get3A_362, %get3A_363, %get3A_364] {strides = array<i32>} : memref<5x128x128xf32, #tpu.memory_space<vmem>>, vector<1x1x16xf32>,
        %get3A_366 = vector.shape_cast %get3A_365 : vector<1x1x16xf32> to vector<16xf32>
        %mul3A_367 = arith.constant 11.3137083 : f32
        %mul3A_368 = vector.broadcast %mul3A_367 : f32 to vector<16xf32>
        %mul3A_369 = arith.mulf %get3A_366, %mul3A_368 : vector<16xf32>
        %swap3A_370 = arith.constant 3 : i32
        %swap3A_371 = arith.index_cast %swap3A_370 : i32 to index
        %swap3A_372 = arith.index_cast %scan3A_330 : i32 to index
        %swap3A_373 = arith.constant 32 : index
        %swap3A_374 = tpu.vector_load %arg6[%swap3A_371, %swap3A_372, %swap3A_373] {strides = array<i32>} : memref<5x128x128xf32, #tpu.memory_space<vmem>>, vector<1x1x16xf32>,
        %swap3A_375 = vector.shape_cast %swap3A_374 : vector<1x1x16xf32> to vector<16xf32>
        %swap3A_376 = vector.shape_cast %mul3A_369 : vector<16xf32> to vector<1x1x16xf32>
        tpu.vector_store %arg6[%swap3A_371, %swap3A_372, %swap3A_373], %swap3A_376 {strides = array<i32>} : memref<5x128x128xf32, #tpu.memory_space<vmem>>, vector<1x1x16xf32>,
        %get3A_377 = arith.constant 3 : i32
        %get3A_378 = arith.index_cast %get3A_377 : i32 to index
        %get3A_379 = arith.index_cast %scan3A_330 : i32 to index
        %get3A_380 = arith.constant 48 : index
        %get3A_381 = tpu.vector_load %arg6[%get3A_378, %get3A_379, %get3A_380] {strides = array<i32>} : memref<5x128x128xf32, #tpu.memory_space<vmem>>, vector<1x1x16xf32>,
        %get3A_382 = vector.shape_cast %get3A_381 : vector<1x1x16xf32> to vector<16xf32>
        %mul3A_383 = arith.constant 11.3137083 : f32
        %mul3A_384 = vector.broadcast %mul3A_383 : f32 to vector<16xf32>
        %mul3A_385 = arith.mulf %get3A_382, %mul3A_384 : vector<16xf32>
        %swap3A_386 = arith.constant 3 : i32
        %swap3A_387 = arith.index_cast %swap3A_386 : i32 to index
        %swap3A_388 = arith.index_cast %scan3A_330 : i32 to index
        %swap3A_389 = arith.constant 48 : index
        %swap3A_390 = tpu.vector_load %arg6[%swap3A_387, %swap3A_388, %swap3A_389] {strides = array<i32>} : memref<5x128x128xf32, #tpu.memory_space<vmem>>, vector<1x1x16xf32>,
        %swap3A_391 = vector.shape_cast %swap3A_390 : vector<1x1x16xf32> to vector<16xf32>
        %swap3A_392 = vector.shape_cast %mul3A_385 : vector<16xf32> to vector<1x1x16xf32>
        tpu.vector_store %arg6[%swap3A_387, %swap3A_388, %swap3A_389], %swap3A_392 {strides = array<i32>} : memref<5x128x128xf32, #tpu.memory_space<vmem>>, vector<1x1x16xf32>,
        %get3A_393 = arith.constant 3 : i32
        %get3A_394 = arith.index_cast %get3A_393 : i32 to index
        %get3A_395 = arith.index_cast %scan3A_330 : i32 to index
        %get3A_396 = arith.constant 64 : index
        %get3A_397 = tpu.vector_load %arg6[%get3A_394, %get3A_395, %get3A_396] {strides = array<i32>} : memref<5x128x128xf32, #tpu.memory_space<vmem>>, vector<1x1x16xf32>,
        %get3A_398 = vector.shape_cast %get3A_397 : vector<1x1x16xf32> to vector<16xf32>
        %mul3A_399 = arith.constant 11.3137083 : f32
        %mul3A_400 = vector.broadcast %mul3A_399 : f32 to vector<16xf32>
        %mul3A_401 = arith.mulf %get3A_398, %mul3A_400 : vector<16xf32>
        %swap3A_402 = arith.constant 3 : i32
        %swap3A_403 = arith.index_cast %swap3A_402 : i32 to index
        %swap3A_404 = arith.index_cast %scan3A_330 : i32 to index
        %swap3A_405 = arith.constant 64 : index
        %swap3A_406 = tpu.vector_load %arg6[%swap3A_403, %swap3A_404, %swap3A_405] {strides = array<i32>} : memref<5x128x128xf32, #tpu.memory_space<vmem>>, vector<1x1x16xf32>,
        %swap3A_407 = vector.shape_cast %swap3A_406 : vector<1x1x16xf32> to vector<16xf32>
        %swap3A_408 = vector.shape_cast %mul3A_401 : vector<16xf32> to vector<1x1x16xf32>
        tpu.vector_store %arg6[%swap3A_403, %swap3A_404, %swap3A_405], %swap3A_408 {strides = array<i32>} : memref<5x128x128xf32, #tpu.memory_space<vmem>>, vector<1x1x16xf32>,
        %get3A_409 = arith.constant 3 : i32
        %get3A_410 = arith.index_cast %get3A_409 : i32 to index
        %get3A_411 = arith.index_cast %scan3A_330 : i32 to index
        %get3A_412 = arith.constant 80 : index
        %get3A_413 = tpu.vector_load %arg6[%get3A_410, %get3A_411, %get3A_412] {strides = array<i32>} : memref<5x128x128xf32, #tpu.memory_space<vmem>>, vector<1x1x16xf32>,
        %get3A_414 = vector.shape_cast %get3A_413 : vector<1x1x16xf32> to vector<16xf32>
        %mul3A_415 = arith.constant 11.3137083 : f32
        %mul3A_416 = vector.broadcast %mul3A_415 : f32 to vector<16xf32>
        %mul3A_417 = arith.mulf %get3A_414, %mul3A_416 : vector<16xf32>
        %swap3A_418 = arith.constant 3 : i32
        %swap3A_419 = arith.index_cast %swap3A_418 : i32 to index
        %swap3A_420 = arith.index_cast %scan3A_330 : i32 to index
        %swap3A_421 = arith.constant 80 : index
        %swap3A_422 = tpu.vector_load %arg6[%swap3A_419, %swap3A_420, %swap3A_421] {strides = array<i32>} : memref<5x128x128xf32, #tpu.memory_space<vmem>>, vector<1x1x16xf32>,
        %swap3A_423 = vector.shape_cast %swap3A_422 : vector<1x1x16xf32> to vector<16xf32>
        %swap3A_424 = vector.shape_cast %mul3A_417 : vector<16xf32> to vector<1x1x16xf32>
        tpu.vector_store %arg6[%swap3A_419, %swap3A_420, %swap3A_421], %swap3A_424 {strides = array<i32>} : memref<5x128x128xf32, #tpu.memory_space<vmem>>, vector<1x1x16xf32>,
        %get3A_425 = arith.constant 3 : i32
        %get3A_426 = arith.index_cast %get3A_425 : i32 to index
        %get3A_427 = arith.index_cast %scan3A_330 : i32 to index
        %get3A_428 = arith.constant 96 : index
        %get3A_429 = tpu.vector_load %arg6[%get3A_426, %get3A_427, %get3A_428] {strides = array<i32>} : memref<5x128x128xf32, #tpu.memory_space<vmem>>, vector<1x1x16xf32>,
        %get3A_430 = vector.shape_cast %get3A_429 : vector<1x1x16xf32> to vector<16xf32>
        %mul3A_431 = arith.constant 11.3137083 : f32
        %mul3A_432 = vector.broadcast %mul3A_431 : f32 to vector<16xf32>
        %mul3A_433 = arith.mulf %get3A_430, %mul3A_432 : vector<16xf32>
        %swap3A_434 = arith.constant 3 : i32
        %swap3A_435 = arith.index_cast %swap3A_434 : i32 to index
        %swap3A_436 = arith.index_cast %scan3A_330 : i32 to index
        %swap3A_437 = arith.constant 96 : index
        %swap3A_438 = tpu.vector_load %arg6[%swap3A_435, %swap3A_436, %swap3A_437] {strides = array<i32>} : memref<5x128x128xf32, #tpu.memory_space<vmem>>, vector<1x1x16xf32>,
        %swap3A_439 = vector.shape_cast %swap3A_438 : vector<1x1x16xf32> to vector<16xf32>
        %swap3A_440 = vector.shape_cast %mul3A_433 : vector<16xf32> to vector<1x1x16xf32>
        tpu.vector_store %arg6[%swap3A_435, %swap3A_436, %swap3A_437], %swap3A_440 {strides = array<i32>} : memref<5x128x128xf32, #tpu.memory_space<vmem>>, vector<1x1x16xf32>,
        %get3A_441 = arith.constant 3 : i32
        %get3A_442 = arith.index_cast %get3A_441 : i32 to index
        %get3A_443 = arith.index_cast %scan3A_330 : i32 to index
        %get3A_444 = arith.constant 112 : index
        %get3A_445 = tpu.vector_load %arg6[%get3A_442, %get3A_443, %get3A_444] {strides = array<i32>} : memref<5x128x128xf32, #tpu.memory_space<vmem>>, vector<1x1x16xf32>,
        %get3A_446 = vector.shape_cast %get3A_445 : vector<1x1x16xf32> to vector<16xf32>
        %mul3A_447 = arith.constant 11.3137083 : f32
        %mul3A_448 = vector.broadcast %mul3A_447 : f32 to vector<16xf32>
        %mul3A_449 = arith.mulf %get3A_446, %mul3A_448 : vector<16xf32>
        %swap3A_450 = arith.constant 3 : i32
        %swap3A_451 = arith.index_cast %swap3A_450 : i32 to index
        %swap3A_452 = arith.index_cast %scan3A_330 : i32 to index
        %swap3A_453 = arith.constant 112 : index
        %swap3A_454 = tpu.vector_load %arg6[%swap3A_451, %swap3A_452, %swap3A_453] {strides = array<i32>} : memref<5x128x128xf32, #tpu.memory_space<vmem>>, vector<1x1x16xf32>,
        %swap3A_455 = vector.shape_cast %swap3A_454 : vector<1x1x16xf32> to vector<16xf32>
        %swap3A_456 = vector.shape_cast %mul3A_449 : vector<16xf32> to vector<1x1x16xf32>
        tpu.vector_store %arg6[%swap3A_451, %swap3A_452, %swap3A_453], %swap3A_456 {strides = array<i32>} : memref<5x128x128xf32, #tpu.memory_space<vmem>>, vector<1x1x16xf32>,
        %scan3A_457 = arith.constant 1 : i32
        %scan3A_458 = arith.addi %scan3A_330, %scan3A_457 : i32
        %get3A_459 = arith.constant 3 : i32
        %get3A_460 = arith.index_cast %get3A_459 : i32 to index
        %get3A_461 = arith.index_cast %scan3A_458 : i32 to index
        %get3A_462 = arith.constant 0 : index
        %get3A_463 = tpu.vector_load %arg6[%get3A_460, %get3A_461, %get3A_462] {strides = array<i32>} : memref<5x128x128xf32, #tpu.memory_space<vmem>>, vector<1x1x16xf32>,
        %get3A_464 = vector.shape_cast %get3A_463 : vector<1x1x16xf32> to vector<16xf32>
        %mul3A_465 = arith.constant 11.3137083 : f32
        %mul3A_466 = vector.broadcast %mul3A_465 : f32 to vector<16xf32>
        %mul3A_467 = arith.mulf %get3A_464, %mul3A_466 : vector<16xf32>
        %swap3A_468 = arith.constant 3 : i32
        %swap3A_469 = arith.index_cast %swap3A_468 : i32 to index
        %swap3A_470 = arith.index_cast %scan3A_458 : i32 to index
        %swap3A_471 = arith.constant 0 : index
        %swap3A_472 = tpu.vector_load %arg6[%swap3A_469, %swap3A_470, %swap3A_471] {strides = array<i32>} : memref<5x128x128xf32, #tpu.memory_space<vmem>>, vector<1x1x16xf32>,
        %swap3A_473 = vector.shape_cast %swap3A_472 : vector<1x1x16xf32> to vector<16xf32>
        %swap3A_474 = vector.shape_cast %mul3A_467 : vector<16xf32> to vector<1x1x16xf32>
        tpu.vector_store %arg6[%swap3A_469, %swap3A_470, %swap3A_471], %swap3A_474 {strides = array<i32>} : memref<5x128x128xf32, #tpu.memory_space<vmem>>, vector<1x1x16xf32>,
        %get3A_475 = arith.constant 3 : i32
        %get3A_476 = arith.index_cast %get3A_475 : i32 to index
        %get3A_477 = arith.index_cast %scan3A_458 : i32 to index
        %get3A_478 = arith.constant 16 : index
        %get3A_479 = tpu.vector_load %arg6[%get3A_476, %get3A_477, %get3A_478] {strides = array<i32>} : memref<5x128x128xf32, #tpu.memory_space<vmem>>, vector<1x1x16xf32>,
        %get3A_480 = vector.shape_cast %get3A_479 : vector<1x1x16xf32> to vector<16xf32>
        %mul3A_481 = arith.constant 11.3137083 : f32
        %mul3A_482 = vector.broadcast %mul3A_481 : f32 to vector<16xf32>
        %mul3A_483 = arith.mulf %get3A_480, %mul3A_482 : vector<16xf32>
        %swap3A_484 = arith.constant 3 : i32
        %swap3A_485 = arith.index_cast %swap3A_484 : i32 to index
        %swap3A_486 = arith.index_cast %scan3A_458 : i32 to index
        %swap3A_487 = arith.constant 16 : index
        %swap3A_488 = tpu.vector_load %arg6[%swap3A_485, %swap3A_486, %swap3A_487] {strides = array<i32>} : memref<5x128x128xf32, #tpu.memory_space<vmem>>, vector<1x1x16xf32>,
        %swap3A_489 = vector.shape_cast %swap3A_488 : vector<1x1x16xf32> to vector<16xf32>
        %swap3A_490 = vector.shape_cast %mul3A_483 : vector<16xf32> to vector<1x1x16xf32>
        tpu.vector_store %arg6[%swap3A_485, %swap3A_486, %swap3A_487], %swap3A_490 {strides = array<i32>} : memref<5x128x128xf32, #tpu.memory_space<vmem>>, vector<1x1x16xf32>,
        %get3A_491 = arith.constant 3 : i32
        %get3A_492 = arith.index_cast %get3A_491 : i32 to index
        %get3A_493 = arith.index_cast %scan3A_458 : i32 to index
        %get3A_494 = arith.constant 32 : index
        %get3A_495 = tpu.vector_load %arg6[%get3A_492, %get3A_493, %get3A_494] {strides = array<i32>} : memref<5x128x128xf32, #tpu.memory_space<vmem>>, vector<1x1x16xf32>,
        %get3A_496 = vector.shape_cast %get3A_495 : vector<1x1x16xf32> to vector<16xf32>
        %mul3A_497 = arith.constant 11.3137083 : f32
        %mul3A_498 = vector.broadcast %mul3A_497 : f32 to vector<16xf32>
        %mul3A_499 = arith.mulf %get3A_496, %mul3A_498 : vector<16xf32>
        %swap3A_500 = arith.constant 3 : i32
        %swap3A_501 = arith.index_cast %swap3A_500 : i32 to index
        %swap3A_502 = arith.index_cast %scan3A_458 : i32 to index
        %swap3A_503 = arith.constant 32 : index
        %swap3A_504 = tpu.vector_load %arg6[%swap3A_501, %swap3A_502, %swap3A_503] {strides = array<i32>} : memref<5x128x128xf32, #tpu.memory_space<vmem>>, vector<1x1x16xf32>,
        %swap3A_505 = vector.shape_cast %swap3A_504 : vector<1x1x16xf32> to vector<16xf32>
        %swap3A_506 = vector.shape_cast %mul3A_499 : vector<16xf32> to vector<1x1x16xf32>
        tpu.vector_store %arg6[%swap3A_501, %swap3A_502, %swap3A_503], %swap3A_506 {strides = array<i32>} : memref<5x128x128xf32, #tpu.memory_space<vmem>>, vector<1x1x16xf32>,
        %get3A_507 = arith.constant 3 : i32
        %get3A_508 = arith.index_cast %get3A_507 : i32 to index
        %get3A_509 = arith.index_cast %scan3A_458 : i32 to index
        %get3A_510 = arith.constant 48 : index
        %get3A_511 = tpu.vector_load %arg6[%get3A_508, %get3A_509, %get3A_510] {strides = array<i32>} : memref<5x128x128xf32, #tpu.memory_space<vmem>>, vector<1x1x16xf32>,
        %get3A_512 = vector.shape_cast %get3A_511 : vector<1x1x16xf32> to vector<16xf32>
        %mul3A_513 = arith.constant 11.3137083 : f32
        %mul3A_514 = vector.broadcast %mul3A_513 : f32 to vector<16xf32>
        %mul3A_515 = arith.mulf %get3A_512, %mul3A_514 : vector<16xf32>
        %swap3A_516 = arith.constant 3 : i32
        %swap3A_517 = arith.index_cast %swap3A_516 : i32 to index
        %swap3A_518 = arith.index_cast %scan3A_458 : i32 to index
        %swap3A_519 = arith.constant 48 : index
        %swap3A_520 = tpu.vector_load %arg6[%swap3A_517, %swap3A_518, %swap3A_519] {strides = array<i32>} : memref<5x128x128xf32, #tpu.memory_space<vmem>>, vector<1x1x16xf32>,
        %swap3A_521 = vector.shape_cast %swap3A_520 : vector<1x1x16xf32> to vector<16xf32>
        %swap3A_522 = vector.shape_cast %mul3A_515 : vector<16xf32> to vector<1x1x16xf32>
        tpu.vector_store %arg6[%swap3A_517, %swap3A_518, %swap3A_519], %swap3A_522 {strides = array<i32>} : memref<5x128x128xf32, #tpu.memory_space<vmem>>, vector<1x1x16xf32>,
        %get3A_523 = arith.constant 3 : i32
        %get3A_524 = arith.index_cast %get3A_523 : i32 to index
        %get3A_525 = arith.index_cast %scan3A_458 : i32 to index
        %get3A_526 = arith.constant 64 : index
        %get3A_527 = tpu.vector_load %arg6[%get3A_524, %get3A_525, %get3A_526] {strides = array<i32>} : memref<5x128x128xf32, #tpu.memory_space<vmem>>, vector<1x1x16xf32>,
        %get3A_528 = vector.shape_cast %get3A_527 : vector<1x1x16xf32> to vector<16xf32>
        %mul3A_529 = arith.constant 11.3137083 : f32
        %mul3A_530 = vector.broadcast %mul3A_529 : f32 to vector<16xf32>
        %mul3A_531 = arith.mulf %get3A_528, %mul3A_530 : vector<16xf32>
        %swap3A_532 = arith.constant 3 : i32
        %swap3A_533 = arith.index_cast %swap3A_532 : i32 to index
        %swap3A_534 = arith.index_cast %scan3A_458 : i32 to index
        %swap3A_535 = arith.constant 64 : index
        %swap3A_536 = tpu.vector_load %arg6[%swap3A_533, %swap3A_534, %swap3A_535] {strides = array<i32>} : memref<5x128x128xf32, #tpu.memory_space<vmem>>, vector<1x1x16xf32>,
        %swap3A_537 = vector.shape_cast %swap3A_536 : vector<1x1x16xf32> to vector<16xf32>
        %swap3A_538 = vector.shape_cast %mul3A_531 : vector<16xf32> to vector<1x1x16xf32>
        tpu.vector_store %arg6[%swap3A_533, %swap3A_534, %swap3A_535], %swap3A_538 {strides = array<i32>} : memref<5x128x128xf32, #tpu.memory_space<vmem>>, vector<1x1x16xf32>,
        %get3A_539 = arith.constant 3 : i32
        %get3A_540 = arith.index_cast %get3A_539 : i32 to index
        %get3A_541 = arith.index_cast %scan3A_458 : i32 to index
        %get3A_542 = arith.constant 80 : index
        %get3A_543 = tpu.vector_load %arg6[%get3A_540, %get3A_541, %get3A_542] {strides = array<i32>} : memref<5x128x128xf32, #tpu.memory_space<vmem>>, vector<1x1x16xf32>,
        %get3A_544 = vector.shape_cast %get3A_543 : vector<1x1x16xf32> to vector<16xf32>
        %mul3A_545 = arith.constant 11.3137083 : f32
        %mul3A_546 = vector.broadcast %mul3A_545 : f32 to vector<16xf32>
        %mul3A_547 = arith.mulf %get3A_544, %mul3A_546 : vector<16xf32>
        %swap3A_548 = arith.constant 3 : i32
        %swap3A_549 = arith.index_cast %swap3A_548 : i32 to index
        %swap3A_550 = arith.index_cast %scan3A_458 : i32 to index
        %swap3A_551 = arith.constant 80 : index
        %swap3A_552 = tpu.vector_load %arg6[%swap3A_549, %swap3A_550, %swap3A_551] {strides = array<i32>} : memref<5x128x128xf32, #tpu.memory_space<vmem>>, vector<1x1x16xf32>,
        %swap3A_553 = vector.shape_cast %swap3A_552 : vector<1x1x16xf32> to vector<16xf32>
        %swap3A_554 = vector.shape_cast %mul3A_547 : vector<16xf32> to vector<1x1x16xf32>
        tpu.vector_store %arg6[%swap3A_549, %swap3A_550, %swap3A_551], %swap3A_554 {strides = array<i32>} : memref<5x128x128xf32, #tpu.memory_space<vmem>>, vector<1x1x16xf32>,
        %get3A_555 = arith.constant 3 : i32
        %get3A_556 = arith.index_cast %get3A_555 : i32 to index
        %get3A_557 = arith.index_cast %scan3A_458 : i32 to index
        %get3A_558 = arith.constant 96 : index
        %get3A_559 = tpu.vector_load %arg6[%get3A_556, %get3A_557, %get3A_558] {strides = array<i32>} : memref<5x128x128xf32, #tpu.memory_space<vmem>>, vector<1x1x16xf32>,
        %get3A_560 = vector.shape_cast %get3A_559 : vector<1x1x16xf32> to vector<16xf32>
        %mul3A_561 = arith.constant 11.3137083 : f32
        %mul3A_562 = vector.broadcast %mul3A_561 : f32 to vector<16xf32>
        %mul3A_563 = arith.mulf %get3A_560, %mul3A_562 : vector<16xf32>
        %swap3A_564 = arith.constant 3 : i32
        %swap3A_565 = arith.index_cast %swap3A_564 : i32 to index
        %swap3A_566 = arith.index_cast %scan3A_458 : i32 to index
        %swap3A_567 = arith.constant 96 : index
        %swap3A_568 = tpu.vector_load %arg6[%swap3A_565, %swap3A_566, %swap3A_567] {strides = array<i32>} : memref<5x128x128xf32, #tpu.memory_space<vmem>>, vector<1x1x16xf32>,
        %swap3A_569 = vector.shape_cast %swap3A_568 : vector<1x1x16xf32> to vector<16xf32>
        %swap3A_570 = vector.shape_cast %mul3A_563 : vector<16xf32> to vector<1x1x16xf32>
        tpu.vector_store %arg6[%swap3A_565, %swap3A_566, %swap3A_567], %swap3A_570 {strides = array<i32>} : memref<5x128x128xf32, #tpu.memory_space<vmem>>, vector<1x1x16xf32>,
        %get3A_571 = arith.constant 3 : i32
        %get3A_572 = arith.index_cast %get3A_571 : i32 to index
        %get3A_573 = arith.index_cast %scan3A_458 : i32 to index
        %get3A_574 = arith.constant 112 : index
        %get3A_575 = tpu.vector_load %arg6[%get3A_572, %get3A_573, %get3A_574] {strides = array<i32>} : memref<5x128x128xf32, #tpu.memory_space<vmem>>, vector<1x1x16xf32>,
        %get3A_576 = vector.shape_cast %get3A_575 : vector<1x1x16xf32> to vector<16xf32>
        %mul3A_577 = arith.constant 11.3137083 : f32
        %mul3A_578 = vector.broadcast %mul3A_577 : f32 to vector<16xf32>
        %mul3A_579 = arith.mulf %get3A_576, %mul3A_578 : vector<16xf32>
        %swap3A_580 = arith.constant 3 : i32
        %swap3A_581 = arith.index_cast %swap3A_580 : i32 to index
        %swap3A_582 = arith.index_cast %scan3A_458 : i32 to index
        %swap3A_583 = arith.constant 112 : index
        %swap3A_584 = tpu.vector_load %arg6[%swap3A_581, %swap3A_582, %swap3A_583] {strides = array<i32>} : memref<5x128x128xf32, #tpu.memory_space<vmem>>, vector<1x1x16xf32>,
        %swap3A_585 = vector.shape_cast %swap3A_584 : vector<1x1x16xf32> to vector<16xf32>
        %swap3A_586 = vector.shape_cast %mul3A_579 : vector<16xf32> to vector<1x1x16xf32>
        tpu.vector_store %arg6[%swap3A_581, %swap3A_582, %swap3A_583], %swap3A_586 {strides = array<i32>} : memref<5x128x128xf32, #tpu.memory_space<vmem>>, vector<1x1x16xf32>,
      }
      %scan3A_260 = arith.constant 128 : i32
      %mul3A_261 = arith.constant 50 : i32
      %mul3A_262 = arith.muli %add3A, %mul3A_261 : i32
      %add3A_263 = arith.addi %mul3A_262, %add3A_231 : i32
      %mul3A_264 = arith.constant 128 : i32
      %mul3A_265 = arith.muli %add3A_263, %mul3A_264 : i32
      %dma_start3A_266 = arith.constant 3 : i32
      %dma_start3A_267 = arith.constant 0 : i32
      %dma_start3A_268 = arith.constant 0 : i32
      %dma_start3A_269 = tpu.memref_slice %arg6[%dma_start3A_266, %dma_start3A_267, %dma_start3A_268] : memref<5x128x128xf32, #tpu.memory_space<vmem>> -> memref<1x128x128xf32, #tpu.memory_space<vmem>>
      %dma_start3A_270 = tpu.memref_squeeze %dma_start3A_269 : memref<1x128x128xf32, #tpu.memory_space<vmem>> -> memref<128x128xf32, #tpu.memory_space<vmem>>
      %dma_start3A_271 = arith.constant 0 : i32
      %dma_start3A_272 = tpu.memref_slice %arg4[%mul3A_265, %dma_start3A_271] : memref<204800x128xf32, #tpu.memory_space<hbm>> -> memref<128x128xf32, #tpu.memory_space<hbm>>
      %dma_start3A_273 = arith.constant 0 : i32
      %dma_start3A_274 = tpu.memref_slice %arg4[%mul3A_265, %dma_start3A_273] : memref<204800x128xf32, #tpu.memory_space<hbm>> -> memref<128x128xf32, #tpu.memory_space<hbm>>
      %dma_start3A_275 = arith.constant 0 : i32
      %dma_start3A_276 = arith.constant 0 : i32
      %dma_start3A_277 = tpu.memref_slice %arg6[%dma_start3A_266, %dma_start3A_275, %dma_start3A_276] : memref<5x128x128xf32, #tpu.memory_space<vmem>> -> memref<1x128x128xf32, #tpu.memory_space<vmem>>
      %dma_start3A_278 = tpu.memref_squeeze %dma_start3A_277 : memref<1x128x128xf32, #tpu.memory_space<vmem>> -> memref<128x128xf32, #tpu.memory_space<vmem>>
      tpu.enqueue_dma source(%dma_start3A_278 : memref<128x128xf32, #tpu.memory_space<vmem>>) target(%dma_start3A_274 : memref<128x128xf32, #tpu.memory_space<hbm>>) target_semaphore(%arg15 : memref<!tpu.dma_semaphore, #tpu.memory_space<semaphore_mem>>)
      %mul3A_279 = arith.constant 5 : i32
      %mul3A_280 = arith.muli %mul3A_279, %scan3A_78 : i32
      %add3A_281 = arith.constant 4 : i32
      %add3A_282 = arith.addi %mul3A_280, %add3A_281 : i32
      %ge3A_283 = arith.constant 2 : i32
      %ge3A_284 = arith.cmpi sge, %add3A_282, %ge3A_283 : i32
      %convert_element_type3A_285 = arith.extui %ge3A_284 : i1 to i32
      %cond3A_286 = arith.constant 0 : i32
      %cond3A_287 = arith.cmpi ne, %convert_element_type3A_285, %cond3A_286 : i32
      scf.if %cond3A_287 {
        %mul3A_330 = arith.constant 50 : i32
        %mul3A_331 = arith.muli %add3A, %mul3A_330 : i32
        %add3A_332 = arith.constant 0 : i32
        %add3A_333 = arith.addi %mul3A_331, %add3A_332 : i32
        %mul3A_334 = arith.constant 128 : i32
        %mul3A_335 = arith.muli %add3A_333, %mul3A_334 : i32
        %dma_wait3A_336 = arith.constant 2 : i32
        %dma_wait3A_337 = arith.constant 0 : i32
        %dma_wait3A_338 = arith.constant 0 : i32
        %dma_wait3A_339 = tpu.memref_slice %arg6[%dma_wait3A_336, %dma_wait3A_337, %dma_wait3A_338] : memref<5x128x128xf32, #tpu.memory_space<vmem>> -> memref<1x128x128xf32, #tpu.memory_space<vmem>>
        %dma_wait3A_340 = tpu.memref_squeeze %dma_wait3A_339 : memref<1x128x128xf32, #tpu.memory_space<vmem>> -> memref<128x128xf32, #tpu.memory_space<vmem>>
        %dma_wait3A_341 = arith.constant 0 : i32
        %dma_wait3A_342 = tpu.memref_slice %arg4[%mul3A_335, %dma_wait3A_341] : memref<204800x128xf32, #tpu.memory_space<hbm>> -> memref<128x128xf32, #tpu.memory_space<hbm>>
        %dma_wait3A_343 = arith.constant 0 : i32
        %dma_wait3A_344 = tpu.memref_slice %arg4[%mul3A_335, %dma_wait3A_343] : memref<204800x128xf32, #tpu.memory_space<hbm>> -> memref<128x128xf32, #tpu.memory_space<hbm>>
        %dma_wait3A_345 = arith.constant 0 : i32
        %dma_wait3A_346 = arith.constant 0 : i32
        %dma_wait3A_347 = tpu.memref_slice %arg6[%dma_wait3A_336, %dma_wait3A_345, %dma_wait3A_346] : memref<5x128x128xf32, #tpu.memory_space<vmem>> -> memref<1x128x128xf32, #tpu.memory_space<vmem>>
        %dma_wait3A_348 = tpu.memref_squeeze %dma_wait3A_347 : memref<1x128x128xf32, #tpu.memory_space<vmem>> -> memref<128x128xf32, #tpu.memory_space<vmem>>
        tpu.wait_dma2 semaphore(%arg14 : memref<!tpu.dma_semaphore, #tpu.memory_space<semaphore_mem>>) src(%dma_wait3A_348 : memref<128x128xf32, #tpu.memory_space<vmem>>) dst(%dma_wait3A_344 : memref<128x128xf32, #tpu.memory_space<hbm>>)
      } else {
      }
      %add3A_288 = arith.constant 3 : i32
      %add3A_289 = arith.addi %add3A_282, %add3A_288 : i32
      %lt3A_290 = arith.constant 50 : i32
      %lt3A_291 = arith.cmpi slt, %add3A_289, %lt3A_290 : i32
      %convert_element_type3A_292 = arith.extui %lt3A_291 : i1 to i32
      %cond3A_293 = arith.constant 0 : i32
      %cond3A_294 = arith.cmpi ne, %convert_element_type3A_292, %cond3A_293 : i32
      scf.if %cond3A_294 {
        %add3A_330 = arith.constant 3 : i32
        %add3A_331 = arith.addi %add3A_282, %add3A_330 : i32
        %dma_start3A_332 = arith.constant 2 : i32
        %dma_start3A_333 = arith.constant 0 : i32
        %dma_start3A_334 = arith.constant 0 : i32
        %dma_start3A_335 = tpu.memref_slice %arg6[%dma_start3A_332, %dma_start3A_333, %dma_start3A_334] : memref<5x128x128xf32, #tpu.memory_space<vmem>> -> memref<1x128x128xf32, #tpu.memory_space<vmem>>
        %dma_start3A_336 = tpu.memref_squeeze %dma_start3A_335 : memref<1x128x128xf32, #tpu.memory_space<vmem>> -> memref<128x128xf32, #tpu.memory_space<vmem>>
        %dma_start3A_337 = arith.constant 0 : i32
        %dma_start3A_338 = tpu.memref_slice %arg5[%add3A_331, %dma_start3A_337] : memref<50x128xi32, #tpu.memory_space<vmem>> -> memref<1x128xi32, #tpu.memory_space<vmem>>
        %dma_start3A_339 = tpu.memref_squeeze %dma_start3A_338 : memref<1x128xi32, #tpu.memory_space<vmem>> -> memref<128xi32, #tpu.memory_space<vmem>>
        %dma_start3A_340 = arith.constant 0 : i32
        %dma_start3A_341 = arith.constant 0 : i32
        %dma_start3A_342 = tpu.memref_slice %arg3[%dma_start3A_340, %dma_start3A_341] : memref<100000x128xf32, #tpu.memory_space<hbm>> -> memref<100000x128xf32, #tpu.memory_space<hbm>>
        tpu.enqueue_indirect_dma source(%dma_start3A_342 : memref<100000x128xf32, #tpu.memory_space<hbm>>) target(%dma_start3A_336 : memref<128x128xf32, #tpu.memory_space<vmem>>) offsets(%dma_start3A_339 : memref<128xi32, #tpu.memory_space<vmem>>) semaphore(%arg9 : memref<!tpu.dma_semaphore, #tpu.memory_space<semaphore_mem>>)
      } else {
      }
      %dma_wait3A_295 = arith.constant 4 : i32
      %dma_wait3A_296 = arith.constant 0 : i32
      %dma_wait3A_297 = arith.constant 0 : i32
      %dma_wait3A_298 = tpu.memref_slice %arg6[%dma_wait3A_295, %dma_wait3A_296, %dma_wait3A_297] : memref<5x128x128xf32, #tpu.memory_space<vmem>> -> memref<1x128x128xf32, #tpu.memory_space<vmem>>
      %dma_wait3A_299 = tpu.memref_squeeze %dma_wait3A_298 : memref<1x128x128xf32, #tpu.memory_space<vmem>> -> memref<128x128xf32, #tpu.memory_space<vmem>>
      %dma_wait3A_300 = arith.constant 0 : i32
      %dma_wait3A_301 = tpu.memref_slice %arg5[%add3A_282, %dma_wait3A_300] : memref<50x128xi32, #tpu.memory_space<vmem>> -> memref<1x128xi32, #tpu.memory_space<vmem>>
      %dma_wait3A_302 = tpu.memref_squeeze %dma_wait3A_301 : memref<1x128xi32, #tpu.memory_space<vmem>> -> memref<128xi32, #tpu.memory_space<vmem>>
      %dma_wait3A_303 = arith.constant 0 : i32
      %dma_wait3A_304 = arith.constant 0 : i32
      %dma_wait3A_305 = tpu.memref_slice %arg3[%dma_wait3A_303, %dma_wait3A_304] : memref<100000x128xf32, #tpu.memory_space<hbm>> -> memref<100000x128xf32, #tpu.memory_space<hbm>>
      tpu.wait_indirect_dma semaphore(%arg11 : memref<!tpu.dma_semaphore, #tpu.memory_space<semaphore_mem>>) src(%dma_wait3A_305 : memref<100000x128xf32, #tpu.memory_space<hbm>>) dst(%dma_wait3A_299 : memref<128x128xf32, #tpu.memory_space<vmem>>)
      %scan3A_306 = arith.constant 0 : i32
      %scan3A_307 = arith.constant 0 : i32
      %scan3A_308 = arith.constant 128 : i32
      %scan3A_309 = arith.addi %scan3A_307, %scan3A_308 : i32
      %scan3A_310 = arith.constant 2 : i32
      scf.for %scan3A_330 = %scan3A_307 to %scan3A_309 step %scan3A_310  : i32 {
        %get3A = arith.constant 4 : i32
        %get3A_331 = arith.index_cast %get3A : i32 to index
        %get3A_332 = arith.index_cast %scan3A_330 : i32 to index
        %get3A_333 = arith.constant 0 : index
        %get3A_334 = tpu.vector_load %arg6[%get3A_331, %get3A_332, %get3A_333] {strides = array<i32>} : memref<5x128x128xf32, #tpu.memory_space<vmem>>, vector<1x1x16xf32>,
        %get3A_335 = vector.shape_cast %get3A_334 : vector<1x1x16xf32> to vector<16xf32>
        %mul3A_336 = arith.constant 11.3137083 : f32
        %mul3A_337 = vector.broadcast %mul3A_336 : f32 to vector<16xf32>
        %mul3A_338 = arith.mulf %get3A_335, %mul3A_337 : vector<16xf32>
        %swap3A = arith.constant 4 : i32
        %swap3A_339 = arith.index_cast %swap3A : i32 to index
        %swap3A_340 = arith.index_cast %scan3A_330 : i32 to index
        %swap3A_341 = arith.constant 0 : index
        %swap3A_342 = tpu.vector_load %arg6[%swap3A_339, %swap3A_340, %swap3A_341] {strides = array<i32>} : memref<5x128x128xf32, #tpu.memory_space<vmem>>, vector<1x1x16xf32>,
        %swap3A_343 = vector.shape_cast %swap3A_342 : vector<1x1x16xf32> to vector<16xf32>
        %swap3A_344 = vector.shape_cast %mul3A_338 : vector<16xf32> to vector<1x1x16xf32>
        tpu.vector_store %arg6[%swap3A_339, %swap3A_340, %swap3A_341], %swap3A_344 {strides = array<i32>} : memref<5x128x128xf32, #tpu.memory_space<vmem>>, vector<1x1x16xf32>,
        %get3A_345 = arith.constant 4 : i32
        %get3A_346 = arith.index_cast %get3A_345 : i32 to index
        %get3A_347 = arith.index_cast %scan3A_330 : i32 to index
        %get3A_348 = arith.constant 16 : index
        %get3A_349 = tpu.vector_load %arg6[%get3A_346, %get3A_347, %get3A_348] {strides = array<i32>} : memref<5x128x128xf32, #tpu.memory_space<vmem>>, vector<1x1x16xf32>,
        %get3A_350 = vector.shape_cast %get3A_349 : vector<1x1x16xf32> to vector<16xf32>
        %mul3A_351 = arith.constant 11.3137083 : f32
        %mul3A_352 = vector.broadcast %mul3A_351 : f32 to vector<16xf32>
        %mul3A_353 = arith.mulf %get3A_350, %mul3A_352 : vector<16xf32>
        %swap3A_354 = arith.constant 4 : i32
        %swap3A_355 = arith.index_cast %swap3A_354 : i32 to index
        %swap3A_356 = arith.index_cast %scan3A_330 : i32 to index
        %swap3A_357 = arith.constant 16 : index
        %swap3A_358 = tpu.vector_load %arg6[%swap3A_355, %swap3A_356, %swap3A_357] {strides = array<i32>} : memref<5x128x128xf32, #tpu.memory_space<vmem>>, vector<1x1x16xf32>,
        %swap3A_359 = vector.shape_cast %swap3A_358 : vector<1x1x16xf32> to vector<16xf32>
        %swap3A_360 = vector.shape_cast %mul3A_353 : vector<16xf32> to vector<1x1x16xf32>
        tpu.vector_store %arg6[%swap3A_355, %swap3A_356, %swap3A_357], %swap3A_360 {strides = array<i32>} : memref<5x128x128xf32, #tpu.memory_space<vmem>>, vector<1x1x16xf32>,
        %get3A_361 = arith.constant 4 : i32
        %get3A_362 = arith.index_cast %get3A_361 : i32 to index
        %get3A_363 = arith.index_cast %scan3A_330 : i32 to index
        %get3A_364 = arith.constant 32 : index
        %get3A_365 = tpu.vector_load %arg6[%get3A_362, %get3A_363, %get3A_364] {strides = array<i32>} : memref<5x128x128xf32, #tpu.memory_space<vmem>>, vector<1x1x16xf32>,
        %get3A_366 = vector.shape_cast %get3A_365 : vector<1x1x16xf32> to vector<16xf32>
        %mul3A_367 = arith.constant 11.3137083 : f32
        %mul3A_368 = vector.broadcast %mul3A_367 : f32 to vector<16xf32>
        %mul3A_369 = arith.mulf %get3A_366, %mul3A_368 : vector<16xf32>
        %swap3A_370 = arith.constant 4 : i32
        %swap3A_371 = arith.index_cast %swap3A_370 : i32 to index
        %swap3A_372 = arith.index_cast %scan3A_330 : i32 to index
        %swap3A_373 = arith.constant 32 : index
        %swap3A_374 = tpu.vector_load %arg6[%swap3A_371, %swap3A_372, %swap3A_373] {strides = array<i32>} : memref<5x128x128xf32, #tpu.memory_space<vmem>>, vector<1x1x16xf32>,
        %swap3A_375 = vector.shape_cast %swap3A_374 : vector<1x1x16xf32> to vector<16xf32>
        %swap3A_376 = vector.shape_cast %mul3A_369 : vector<16xf32> to vector<1x1x16xf32>
        tpu.vector_store %arg6[%swap3A_371, %swap3A_372, %swap3A_373], %swap3A_376 {strides = array<i32>} : memref<5x128x128xf32, #tpu.memory_space<vmem>>, vector<1x1x16xf32>,
        %get3A_377 = arith.constant 4 : i32
        %get3A_378 = arith.index_cast %get3A_377 : i32 to index
        %get3A_379 = arith.index_cast %scan3A_330 : i32 to index
        %get3A_380 = arith.constant 48 : index
        %get3A_381 = tpu.vector_load %arg6[%get3A_378, %get3A_379, %get3A_380] {strides = array<i32>} : memref<5x128x128xf32, #tpu.memory_space<vmem>>, vector<1x1x16xf32>,
        %get3A_382 = vector.shape_cast %get3A_381 : vector<1x1x16xf32> to vector<16xf32>
        %mul3A_383 = arith.constant 11.3137083 : f32
        %mul3A_384 = vector.broadcast %mul3A_383 : f32 to vector<16xf32>
        %mul3A_385 = arith.mulf %get3A_382, %mul3A_384 : vector<16xf32>
        %swap3A_386 = arith.constant 4 : i32
        %swap3A_387 = arith.index_cast %swap3A_386 : i32 to index
        %swap3A_388 = arith.index_cast %scan3A_330 : i32 to index
        %swap3A_389 = arith.constant 48 : index
        %swap3A_390 = tpu.vector_load %arg6[%swap3A_387, %swap3A_388, %swap3A_389] {strides = array<i32>} : memref<5x128x128xf32, #tpu.memory_space<vmem>>, vector<1x1x16xf32>,
        %swap3A_391 = vector.shape_cast %swap3A_390 : vector<1x1x16xf32> to vector<16xf32>
        %swap3A_392 = vector.shape_cast %mul3A_385 : vector<16xf32> to vector<1x1x16xf32>
        tpu.vector_store %arg6[%swap3A_387, %swap3A_388, %swap3A_389], %swap3A_392 {strides = array<i32>} : memref<5x128x128xf32, #tpu.memory_space<vmem>>, vector<1x1x16xf32>,
        %get3A_393 = arith.constant 4 : i32
        %get3A_394 = arith.index_cast %get3A_393 : i32 to index
        %get3A_395 = arith.index_cast %scan3A_330 : i32 to index
        %get3A_396 = arith.constant 64 : index
        %get3A_397 = tpu.vector_load %arg6[%get3A_394, %get3A_395, %get3A_396] {strides = array<i32>} : memref<5x128x128xf32, #tpu.memory_space<vmem>>, vector<1x1x16xf32>,
        %get3A_398 = vector.shape_cast %get3A_397 : vector<1x1x16xf32> to vector<16xf32>
        %mul3A_399 = arith.constant 11.3137083 : f32
        %mul3A_400 = vector.broadcast %mul3A_399 : f32 to vector<16xf32>
        %mul3A_401 = arith.mulf %get3A_398, %mul3A_400 : vector<16xf32>
        %swap3A_402 = arith.constant 4 : i32
        %swap3A_403 = arith.index_cast %swap3A_402 : i32 to index
        %swap3A_404 = arith.index_cast %scan3A_330 : i32 to index
        %swap3A_405 = arith.constant 64 : index
        %swap3A_406 = tpu.vector_load %arg6[%swap3A_403, %swap3A_404, %swap3A_405] {strides = array<i32>} : memref<5x128x128xf32, #tpu.memory_space<vmem>>, vector<1x1x16xf32>,
        %swap3A_407 = vector.shape_cast %swap3A_406 : vector<1x1x16xf32> to vector<16xf32>
        %swap3A_408 = vector.shape_cast %mul3A_401 : vector<16xf32> to vector<1x1x16xf32>
        tpu.vector_store %arg6[%swap3A_403, %swap3A_404, %swap3A_405], %swap3A_408 {strides = array<i32>} : memref<5x128x128xf32, #tpu.memory_space<vmem>>, vector<1x1x16xf32>,
        %get3A_409 = arith.constant 4 : i32
        %get3A_410 = arith.index_cast %get3A_409 : i32 to index
        %get3A_411 = arith.index_cast %scan3A_330 : i32 to index
        %get3A_412 = arith.constant 80 : index
        %get3A_413 = tpu.vector_load %arg6[%get3A_410, %get3A_411, %get3A_412] {strides = array<i32>} : memref<5x128x128xf32, #tpu.memory_space<vmem>>, vector<1x1x16xf32>,
        %get3A_414 = vector.shape_cast %get3A_413 : vector<1x1x16xf32> to vector<16xf32>
        %mul3A_415 = arith.constant 11.3137083 : f32
        %mul3A_416 = vector.broadcast %mul3A_415 : f32 to vector<16xf32>
        %mul3A_417 = arith.mulf %get3A_414, %mul3A_416 : vector<16xf32>
        %swap3A_418 = arith.constant 4 : i32
        %swap3A_419 = arith.index_cast %swap3A_418 : i32 to index
        %swap3A_420 = arith.index_cast %scan3A_330 : i32 to index
        %swap3A_421 = arith.constant 80 : index
        %swap3A_422 = tpu.vector_load %arg6[%swap3A_419, %swap3A_420, %swap3A_421] {strides = array<i32>} : memref<5x128x128xf32, #tpu.memory_space<vmem>>, vector<1x1x16xf32>,
        %swap3A_423 = vector.shape_cast %swap3A_422 : vector<1x1x16xf32> to vector<16xf32>
        %swap3A_424 = vector.shape_cast %mul3A_417 : vector<16xf32> to vector<1x1x16xf32>
        tpu.vector_store %arg6[%swap3A_419, %swap3A_420, %swap3A_421], %swap3A_424 {strides = array<i32>} : memref<5x128x128xf32, #tpu.memory_space<vmem>>, vector<1x1x16xf32>,
        %get3A_425 = arith.constant 4 : i32
        %get3A_426 = arith.index_cast %get3A_425 : i32 to index
        %get3A_427 = arith.index_cast %scan3A_330 : i32 to index
        %get3A_428 = arith.constant 96 : index
        %get3A_429 = tpu.vector_load %arg6[%get3A_426, %get3A_427, %get3A_428] {strides = array<i32>} : memref<5x128x128xf32, #tpu.memory_space<vmem>>, vector<1x1x16xf32>,
        %get3A_430 = vector.shape_cast %get3A_429 : vector<1x1x16xf32> to vector<16xf32>
        %mul3A_431 = arith.constant 11.3137083 : f32
        %mul3A_432 = vector.broadcast %mul3A_431 : f32 to vector<16xf32>
        %mul3A_433 = arith.mulf %get3A_430, %mul3A_432 : vector<16xf32>
        %swap3A_434 = arith.constant 4 : i32
        %swap3A_435 = arith.index_cast %swap3A_434 : i32 to index
        %swap3A_436 = arith.index_cast %scan3A_330 : i32 to index
        %swap3A_437 = arith.constant 96 : index
        %swap3A_438 = tpu.vector_load %arg6[%swap3A_435, %swap3A_436, %swap3A_437] {strides = array<i32>} : memref<5x128x128xf32, #tpu.memory_space<vmem>>, vector<1x1x16xf32>,
        %swap3A_439 = vector.shape_cast %swap3A_438 : vector<1x1x16xf32> to vector<16xf32>
        %swap3A_440 = vector.shape_cast %mul3A_433 : vector<16xf32> to vector<1x1x16xf32>
        tpu.vector_store %arg6[%swap3A_435, %swap3A_436, %swap3A_437], %swap3A_440 {strides = array<i32>} : memref<5x128x128xf32, #tpu.memory_space<vmem>>, vector<1x1x16xf32>,
        %get3A_441 = arith.constant 4 : i32
        %get3A_442 = arith.index_cast %get3A_441 : i32 to index
        %get3A_443 = arith.index_cast %scan3A_330 : i32 to index
        %get3A_444 = arith.constant 112 : index
        %get3A_445 = tpu.vector_load %arg6[%get3A_442, %get3A_443, %get3A_444] {strides = array<i32>} : memref<5x128x128xf32, #tpu.memory_space<vmem>>, vector<1x1x16xf32>,
        %get3A_446 = vector.shape_cast %get3A_445 : vector<1x1x16xf32> to vector<16xf32>
        %mul3A_447 = arith.constant 11.3137083 : f32
        %mul3A_448 = vector.broadcast %mul3A_447 : f32 to vector<16xf32>
        %mul3A_449 = arith.mulf %get3A_446, %mul3A_448 : vector<16xf32>
        %swap3A_450 = arith.constant 4 : i32
        %swap3A_451 = arith.index_cast %swap3A_450 : i32 to index
        %swap3A_452 = arith.index_cast %scan3A_330 : i32 to index
        %swap3A_453 = arith.constant 112 : index
        %swap3A_454 = tpu.vector_load %arg6[%swap3A_451, %swap3A_452, %swap3A_453] {strides = array<i32>} : memref<5x128x128xf32, #tpu.memory_space<vmem>>, vector<1x1x16xf32>,
        %swap3A_455 = vector.shape_cast %swap3A_454 : vector<1x1x16xf32> to vector<16xf32>
        %swap3A_456 = vector.shape_cast %mul3A_449 : vector<16xf32> to vector<1x1x16xf32>
        tpu.vector_store %arg6[%swap3A_451, %swap3A_452, %swap3A_453], %swap3A_456 {strides = array<i32>} : memref<5x128x128xf32, #tpu.memory_space<vmem>>, vector<1x1x16xf32>,
        %scan3A_457 = arith.constant 1 : i32
        %scan3A_458 = arith.addi %scan3A_330, %scan3A_457 : i32
        %get3A_459 = arith.constant 4 : i32
        %get3A_460 = arith.index_cast %get3A_459 : i32 to index
        %get3A_461 = arith.index_cast %scan3A_458 : i32 to index
        %get3A_462 = arith.constant 0 : index
        %get3A_463 = tpu.vector_load %arg6[%get3A_460, %get3A_461, %get3A_462] {strides = array<i32>} : memref<5x128x128xf32, #tpu.memory_space<vmem>>, vector<1x1x16xf32>,
        %get3A_464 = vector.shape_cast %get3A_463 : vector<1x1x16xf32> to vector<16xf32>
        %mul3A_465 = arith.constant 11.3137083 : f32
        %mul3A_466 = vector.broadcast %mul3A_465 : f32 to vector<16xf32>
        %mul3A_467 = arith.mulf %get3A_464, %mul3A_466 : vector<16xf32>
        %swap3A_468 = arith.constant 4 : i32
        %swap3A_469 = arith.index_cast %swap3A_468 : i32 to index
        %swap3A_470 = arith.index_cast %scan3A_458 : i32 to index
        %swap3A_471 = arith.constant 0 : index
        %swap3A_472 = tpu.vector_load %arg6[%swap3A_469, %swap3A_470, %swap3A_471] {strides = array<i32>} : memref<5x128x128xf32, #tpu.memory_space<vmem>>, vector<1x1x16xf32>,
        %swap3A_473 = vector.shape_cast %swap3A_472 : vector<1x1x16xf32> to vector<16xf32>
        %swap3A_474 = vector.shape_cast %mul3A_467 : vector<16xf32> to vector<1x1x16xf32>
        tpu.vector_store %arg6[%swap3A_469, %swap3A_470, %swap3A_471], %swap3A_474 {strides = array<i32>} : memref<5x128x128xf32, #tpu.memory_space<vmem>>, vector<1x1x16xf32>,
        %get3A_475 = arith.constant 4 : i32
        %get3A_476 = arith.index_cast %get3A_475 : i32 to index
        %get3A_477 = arith.index_cast %scan3A_458 : i32 to index
        %get3A_478 = arith.constant 16 : index
        %get3A_479 = tpu.vector_load %arg6[%get3A_476, %get3A_477, %get3A_478] {strides = array<i32>} : memref<5x128x128xf32, #tpu.memory_space<vmem>>, vector<1x1x16xf32>,
        %get3A_480 = vector.shape_cast %get3A_479 : vector<1x1x16xf32> to vector<16xf32>
        %mul3A_481 = arith.constant 11.3137083 : f32
        %mul3A_482 = vector.broadcast %mul3A_481 : f32 to vector<16xf32>
        %mul3A_483 = arith.mulf %get3A_480, %mul3A_482 : vector<16xf32>
        %swap3A_484 = arith.constant 4 : i32
        %swap3A_485 = arith.index_cast %swap3A_484 : i32 to index
        %swap3A_486 = arith.index_cast %scan3A_458 : i32 to index
        %swap3A_487 = arith.constant 16 : index
        %swap3A_488 = tpu.vector_load %arg6[%swap3A_485, %swap3A_486, %swap3A_487] {strides = array<i32>} : memref<5x128x128xf32, #tpu.memory_space<vmem>>, vector<1x1x16xf32>,
        %swap3A_489 = vector.shape_cast %swap3A_488 : vector<1x1x16xf32> to vector<16xf32>
        %swap3A_490 = vector.shape_cast %mul3A_483 : vector<16xf32> to vector<1x1x16xf32>
        tpu.vector_store %arg6[%swap3A_485, %swap3A_486, %swap3A_487], %swap3A_490 {strides = array<i32>} : memref<5x128x128xf32, #tpu.memory_space<vmem>>, vector<1x1x16xf32>,
        %get3A_491 = arith.constant 4 : i32
        %get3A_492 = arith.index_cast %get3A_491 : i32 to index
        %get3A_493 = arith.index_cast %scan3A_458 : i32 to index
        %get3A_494 = arith.constant 32 : index
        %get3A_495 = tpu.vector_load %arg6[%get3A_492, %get3A_493, %get3A_494] {strides = array<i32>} : memref<5x128x128xf32, #tpu.memory_space<vmem>>, vector<1x1x16xf32>,
        %get3A_496 = vector.shape_cast %get3A_495 : vector<1x1x16xf32> to vector<16xf32>
        %mul3A_497 = arith.constant 11.3137083 : f32
        %mul3A_498 = vector.broadcast %mul3A_497 : f32 to vector<16xf32>
        %mul3A_499 = arith.mulf %get3A_496, %mul3A_498 : vector<16xf32>
        %swap3A_500 = arith.constant 4 : i32
        %swap3A_501 = arith.index_cast %swap3A_500 : i32 to index
        %swap3A_502 = arith.index_cast %scan3A_458 : i32 to index
        %swap3A_503 = arith.constant 32 : index
        %swap3A_504 = tpu.vector_load %arg6[%swap3A_501, %swap3A_502, %swap3A_503] {strides = array<i32>} : memref<5x128x128xf32, #tpu.memory_space<vmem>>, vector<1x1x16xf32>,
        %swap3A_505 = vector.shape_cast %swap3A_504 : vector<1x1x16xf32> to vector<16xf32>
        %swap3A_506 = vector.shape_cast %mul3A_499 : vector<16xf32> to vector<1x1x16xf32>
        tpu.vector_store %arg6[%swap3A_501, %swap3A_502, %swap3A_503], %swap3A_506 {strides = array<i32>} : memref<5x128x128xf32, #tpu.memory_space<vmem>>, vector<1x1x16xf32>,
        %get3A_507 = arith.constant 4 : i32
        %get3A_508 = arith.index_cast %get3A_507 : i32 to index
        %get3A_509 = arith.index_cast %scan3A_458 : i32 to index
        %get3A_510 = arith.constant 48 : index
        %get3A_511 = tpu.vector_load %arg6[%get3A_508, %get3A_509, %get3A_510] {strides = array<i32>} : memref<5x128x128xf32, #tpu.memory_space<vmem>>, vector<1x1x16xf32>,
        %get3A_512 = vector.shape_cast %get3A_511 : vector<1x1x16xf32> to vector<16xf32>
        %mul3A_513 = arith.constant 11.3137083 : f32
        %mul3A_514 = vector.broadcast %mul3A_513 : f32 to vector<16xf32>
        %mul3A_515 = arith.mulf %get3A_512, %mul3A_514 : vector<16xf32>
        %swap3A_516 = arith.constant 4 : i32
        %swap3A_517 = arith.index_cast %swap3A_516 : i32 to index
        %swap3A_518 = arith.index_cast %scan3A_458 : i32 to index
        %swap3A_519 = arith.constant 48 : index
        %swap3A_520 = tpu.vector_load %arg6[%swap3A_517, %swap3A_518, %swap3A_519] {strides = array<i32>} : memref<5x128x128xf32, #tpu.memory_space<vmem>>, vector<1x1x16xf32>,
        %swap3A_521 = vector.shape_cast %swap3A_520 : vector<1x1x16xf32> to vector<16xf32>
        %swap3A_522 = vector.shape_cast %mul3A_515 : vector<16xf32> to vector<1x1x16xf32>
        tpu.vector_store %arg6[%swap3A_517, %swap3A_518, %swap3A_519], %swap3A_522 {strides = array<i32>} : memref<5x128x128xf32, #tpu.memory_space<vmem>>, vector<1x1x16xf32>,
        %get3A_523 = arith.constant 4 : i32
        %get3A_524 = arith.index_cast %get3A_523 : i32 to index
        %get3A_525 = arith.index_cast %scan3A_458 : i32 to index
        %get3A_526 = arith.constant 64 : index
        %get3A_527 = tpu.vector_load %arg6[%get3A_524, %get3A_525, %get3A_526] {strides = array<i32>} : memref<5x128x128xf32, #tpu.memory_space<vmem>>, vector<1x1x16xf32>,
        %get3A_528 = vector.shape_cast %get3A_527 : vector<1x1x16xf32> to vector<16xf32>
        %mul3A_529 = arith.constant 11.3137083 : f32
        %mul3A_530 = vector.broadcast %mul3A_529 : f32 to vector<16xf32>
        %mul3A_531 = arith.mulf %get3A_528, %mul3A_530 : vector<16xf32>
        %swap3A_532 = arith.constant 4 : i32
        %swap3A_533 = arith.index_cast %swap3A_532 : i32 to index
        %swap3A_534 = arith.index_cast %scan3A_458 : i32 to index
        %swap3A_535 = arith.constant 64 : index
        %swap3A_536 = tpu.vector_load %arg6[%swap3A_533, %swap3A_534, %swap3A_535] {strides = array<i32>} : memref<5x128x128xf32, #tpu.memory_space<vmem>>, vector<1x1x16xf32>,
        %swap3A_537 = vector.shape_cast %swap3A_536 : vector<1x1x16xf32> to vector<16xf32>
        %swap3A_538 = vector.shape_cast %mul3A_531 : vector<16xf32> to vector<1x1x16xf32>
        tpu.vector_store %arg6[%swap3A_533, %swap3A_534, %swap3A_535], %swap3A_538 {strides = array<i32>} : memref<5x128x128xf32, #tpu.memory_space<vmem>>, vector<1x1x16xf32>,
        %get3A_539 = arith.constant 4 : i32
        %get3A_540 = arith.index_cast %get3A_539 : i32 to index
        %get3A_541 = arith.index_cast %scan3A_458 : i32 to index
        %get3A_542 = arith.constant 80 : index
        %get3A_543 = tpu.vector_load %arg6[%get3A_540, %get3A_541, %get3A_542] {strides = array<i32>} : memref<5x128x128xf32, #tpu.memory_space<vmem>>, vector<1x1x16xf32>,
        %get3A_544 = vector.shape_cast %get3A_543 : vector<1x1x16xf32> to vector<16xf32>
        %mul3A_545 = arith.constant 11.3137083 : f32
        %mul3A_546 = vector.broadcast %mul3A_545 : f32 to vector<16xf32>
        %mul3A_547 = arith.mulf %get3A_544, %mul3A_546 : vector<16xf32>
        %swap3A_548 = arith.constant 4 : i32
        %swap3A_549 = arith.index_cast %swap3A_548 : i32 to index
        %swap3A_550 = arith.index_cast %scan3A_458 : i32 to index
        %swap3A_551 = arith.constant 80 : index
        %swap3A_552 = tpu.vector_load %arg6[%swap3A_549, %swap3A_550, %swap3A_551] {strides = array<i32>} : memref<5x128x128xf32, #tpu.memory_space<vmem>>, vector<1x1x16xf32>,
        %swap3A_553 = vector.shape_cast %swap3A_552 : vector<1x1x16xf32> to vector<16xf32>
        %swap3A_554 = vector.shape_cast %mul3A_547 : vector<16xf32> to vector<1x1x16xf32>
        tpu.vector_store %arg6[%swap3A_549, %swap3A_550, %swap3A_551], %swap3A_554 {strides = array<i32>} : memref<5x128x128xf32, #tpu.memory_space<vmem>>, vector<1x1x16xf32>,
        %get3A_555 = arith.constant 4 : i32
        %get3A_556 = arith.index_cast %get3A_555 : i32 to index
        %get3A_557 = arith.index_cast %scan3A_458 : i32 to index
        %get3A_558 = arith.constant 96 : index
        %get3A_559 = tpu.vector_load %arg6[%get3A_556, %get3A_557, %get3A_558] {strides = array<i32>} : memref<5x128x128xf32, #tpu.memory_space<vmem>>, vector<1x1x16xf32>,
        %get3A_560 = vector.shape_cast %get3A_559 : vector<1x1x16xf32> to vector<16xf32>
        %mul3A_561 = arith.constant 11.3137083 : f32
        %mul3A_562 = vector.broadcast %mul3A_561 : f32 to vector<16xf32>
        %mul3A_563 = arith.mulf %get3A_560, %mul3A_562 : vector<16xf32>
        %swap3A_564 = arith.constant 4 : i32
        %swap3A_565 = arith.index_cast %swap3A_564 : i32 to index
        %swap3A_566 = arith.index_cast %scan3A_458 : i32 to index
        %swap3A_567 = arith.constant 96 : index
        %swap3A_568 = tpu.vector_load %arg6[%swap3A_565, %swap3A_566, %swap3A_567] {strides = array<i32>} : memref<5x128x128xf32, #tpu.memory_space<vmem>>, vector<1x1x16xf32>,
        %swap3A_569 = vector.shape_cast %swap3A_568 : vector<1x1x16xf32> to vector<16xf32>
        %swap3A_570 = vector.shape_cast %mul3A_563 : vector<16xf32> to vector<1x1x16xf32>
        tpu.vector_store %arg6[%swap3A_565, %swap3A_566, %swap3A_567], %swap3A_570 {strides = array<i32>} : memref<5x128x128xf32, #tpu.memory_space<vmem>>, vector<1x1x16xf32>,
        %get3A_571 = arith.constant 4 : i32
        %get3A_572 = arith.index_cast %get3A_571 : i32 to index
        %get3A_573 = arith.index_cast %scan3A_458 : i32 to index
        %get3A_574 = arith.constant 112 : index
        %get3A_575 = tpu.vector_load %arg6[%get3A_572, %get3A_573, %get3A_574] {strides = array<i32>} : memref<5x128x128xf32, #tpu.memory_space<vmem>>, vector<1x1x16xf32>,
        %get3A_576 = vector.shape_cast %get3A_575 : vector<1x1x16xf32> to vector<16xf32>
        %mul3A_577 = arith.constant 11.3137083 : f32
        %mul3A_578 = vector.broadcast %mul3A_577 : f32 to vector<16xf32>
        %mul3A_579 = arith.mulf %get3A_576, %mul3A_578 : vector<16xf32>
        %swap3A_580 = arith.constant 4 : i32
        %swap3A_581 = arith.index_cast %swap3A_580 : i32 to index
        %swap3A_582 = arith.index_cast %scan3A_458 : i32 to index
        %swap3A_583 = arith.constant 112 : index
        %swap3A_584 = tpu.vector_load %arg6[%swap3A_581, %swap3A_582, %swap3A_583] {strides = array<i32>} : memref<5x128x128xf32, #tpu.memory_space<vmem>>, vector<1x1x16xf32>,
        %swap3A_585 = vector.shape_cast %swap3A_584 : vector<1x1x16xf32> to vector<16xf32>
        %swap3A_586 = vector.shape_cast %mul3A_579 : vector<16xf32> to vector<1x1x16xf32>
        tpu.vector_store %arg6[%swap3A_581, %swap3A_582, %swap3A_583], %swap3A_586 {strides = array<i32>} : memref<5x128x128xf32, #tpu.memory_space<vmem>>, vector<1x1x16xf32>,
      }
      %scan3A_311 = arith.constant 128 : i32
      %mul3A_312 = arith.constant 50 : i32
      %mul3A_313 = arith.muli %add3A, %mul3A_312 : i32
      %add3A_314 = arith.addi %mul3A_313, %add3A_282 : i32
      %mul3A_315 = arith.constant 128 : i32
      %mul3A_316 = arith.muli %add3A_314, %mul3A_315 : i32
      %dma_start3A_317 = arith.constant 4 : i32
      %dma_start3A_318 = arith.constant 0 : i32
      %dma_start3A_319 = arith.constant 0 : i32
      %dma_start3A_320 = tpu.memref_slice %arg6[%dma_start3A_317, %dma_start3A_318, %dma_start3A_319] : memref<5x128x128xf32, #tpu.memory_space<vmem>> -> memref<1x128x128xf32, #tpu.memory_space<vmem>>
      %dma_start3A_321 = tpu.memref_squeeze %dma_start3A_320 : memref<1x128x128xf32, #tpu.memory_space<vmem>> -> memref<128x128xf32, #tpu.memory_space<vmem>>
      %dma_start3A_322 = arith.constant 0 : i32
      %dma_start3A_323 = tpu.memref_slice %arg4[%mul3A_316, %dma_start3A_322] : memref<204800x128xf32, #tpu.memory_space<hbm>> -> memref<128x128xf32, #tpu.memory_space<hbm>>
      %dma_start3A_324 = arith.constant 0 : i32
      %dma_start3A_325 = tpu.memref_slice %arg4[%mul3A_316, %dma_start3A_324] : memref<204800x128xf32, #tpu.memory_space<hbm>> -> memref<128x128xf32, #tpu.memory_space<hbm>>
      %dma_start3A_326 = arith.constant 0 : i32
      %dma_start3A_327 = arith.constant 0 : i32
      %dma_start3A_328 = tpu.memref_slice %arg6[%dma_start3A_317, %dma_start3A_326, %dma_start3A_327] : memref<5x128x128xf32, #tpu.memory_space<vmem>> -> memref<1x128x128xf32, #tpu.memory_space<vmem>>
      %dma_start3A_329 = tpu.memref_squeeze %dma_start3A_328 : memref<1x128x128xf32, #tpu.memory_space<vmem>> -> memref<128x128xf32, #tpu.memory_space<vmem>>
      tpu.enqueue_dma source(%dma_start3A_329 : memref<128x128xf32, #tpu.memory_space<vmem>>) target(%dma_start3A_325 : memref<128x128xf32, #tpu.memory_space<hbm>>) target_semaphore(%arg16 : memref<!tpu.dma_semaphore, #tpu.memory_space<semaphore_mem>>)
    }
    %scan3A_40 = arith.constant 10 : i32
    %mul3A_41 = arith.constant 50 : i32
    %mul3A_42 = arith.muli %add3A, %mul3A_41 : i32
    %add3A_43 = arith.constant 0 : i32
    %add3A_44 = arith.addi %mul3A_42, %add3A_43 : i32
    %mul3A_45 = arith.constant 128 : i32
    %mul3A_46 = arith.muli %add3A_44, %mul3A_45 : i32
    %dma_wait3A = arith.constant 3 : i32
    %dma_wait3A_47 = arith.constant 0 : i32
    %dma_wait3A_48 = arith.constant 0 : i32
    %dma_wait3A_49 = tpu.memref_slice %arg6[%dma_wait3A, %dma_wait3A_47, %dma_wait3A_48] : memref<5x128x128xf32, #tpu.memory_space<vmem>> -> memref<1x128x128xf32, #tpu.memory_space<vmem>>
    %dma_wait3A_50 = tpu.memref_squeeze %dma_wait3A_49 : memref<1x128x128xf32, #tpu.memory_space<vmem>> -> memref<128x128xf32, #tpu.memory_space<vmem>>
    %dma_wait3A_51 = arith.constant 0 : i32
    %dma_wait3A_52 = tpu.memref_slice %arg4[%mul3A_46, %dma_wait3A_51] : memref<204800x128xf32, #tpu.memory_space<hbm>> -> memref<128x128xf32, #tpu.memory_space<hbm>>
    %dma_wait3A_53 = arith.constant 0 : i32
    %dma_wait3A_54 = tpu.memref_slice %arg4[%mul3A_46, %dma_wait3A_53] : memref<204800x128xf32, #tpu.memory_space<hbm>> -> memref<128x128xf32, #tpu.memory_space<hbm>>
    %dma_wait3A_55 = arith.constant 0 : i32
    %dma_wait3A_56 = arith.constant 0 : i32
    %dma_wait3A_57 = tpu.memref_slice %arg6[%dma_wait3A, %dma_wait3A_55, %dma_wait3A_56] : memref<5x128x128xf32, #tpu.memory_space<vmem>> -> memref<1x128x128xf32, #tpu.memory_space<vmem>>
    %dma_wait3A_58 = tpu.memref_squeeze %dma_wait3A_57 : memref<1x128x128xf32, #tpu.memory_space<vmem>> -> memref<128x128xf32, #tpu.memory_space<vmem>>
    tpu.wait_dma2 semaphore(%arg15 : memref<!tpu.dma_semaphore, #tpu.memory_space<semaphore_mem>>) src(%dma_wait3A_58 : memref<128x128xf32, #tpu.memory_space<vmem>>) dst(%dma_wait3A_54 : memref<128x128xf32, #tpu.memory_space<hbm>>)
    %mul3A_59 = arith.constant 50 : i32
    %mul3A_60 = arith.muli %add3A, %mul3A_59 : i32
    %add3A_61 = arith.constant 0 : i32
    %add3A_62 = arith.addi %mul3A_60, %add3A_61 : i32
    %mul3A_63 = arith.constant 128 : i32
    %mul3A_64 = arith.muli %add3A_62, %mul3A_63 : i32
    %dma_wait3A_65 = arith.constant 4 : i32
    %dma_wait3A_66 = arith.constant 0 : i32
    %dma_wait3A_67 = arith.constant 0 : i32
    %dma_wait3A_68 = tpu.memref_slice %arg6[%dma_wait3A_65, %dma_wait3A_66, %dma_wait3A_67] : memref<5x128x128xf32, #tpu.memory_space<vmem>> -> memref<1x128x128xf32, #tpu.memory_space<vmem>>
    %dma_wait3A_69 = tpu.memref_squeeze %dma_wait3A_68 : memref<1x128x128xf32, #tpu.memory_space<vmem>> -> memref<128x128xf32, #tpu.memory_space<vmem>>
    %dma_wait3A_70 = arith.constant 0 : i32
    %dma_wait3A_71 = tpu.memref_slice %arg4[%mul3A_64, %dma_wait3A_70] : memref<204800x128xf32, #tpu.memory_space<hbm>> -> memref<128x128xf32, #tpu.memory_space<hbm>>
    %dma_wait3A_72 = arith.constant 0 : i32
    %dma_wait3A_73 = tpu.memref_slice %arg4[%mul3A_64, %dma_wait3A_72] : memref<204800x128xf32, #tpu.memory_space<hbm>> -> memref<128x128xf32, #tpu.memory_space<hbm>>
    %dma_wait3A_74 = arith.constant 0 : i32
    %dma_wait3A_75 = arith.constant 0 : i32
    %dma_wait3A_76 = tpu.memref_slice %arg6[%dma_wait3A_65, %dma_wait3A_74, %dma_wait3A_75] : memref<5x128x128xf32, #tpu.memory_space<vmem>> -> memref<1x128x128xf32, #tpu.memory_space<vmem>>
    %dma_wait3A_77 = tpu.memref_squeeze %dma_wait3A_76 : memref<1x128x128xf32, #tpu.memory_space<vmem>> -> memref<128x128xf32, #tpu.memory_space<vmem>>
    tpu.wait_dma2 semaphore(%arg16 : memref<!tpu.dma_semaphore, #tpu.memory_space<semaphore_mem>>) src(%dma_wait3A_77 : memref<128x128xf32, #tpu.memory_space<vmem>>) dst(%dma_wait3A_73 : memref<128x128xf32, #tpu.memory_space<hbm>>)
    return
  }
}

</mosaic_0001>

<sc_bundles>
// kernel: kernel.3.cloned.1.call-start
scs
__scs_entry_jumppad:
0x0: {  	(pc) =	sbr.rel $0x88, $3  }
0x1: {  	(tag) =	ssettag $0x0;
	lr =	simm.s32 $0x1  }
0x2: {  	[smem:$0x3F9F] =	sst lr;
	_ =	strace $0xD0000000  }
0x3: {  	_ = 	snop  }
0x4: {  	_ = 	snop  }
0x5: {  	_ = 	snop  }
0x6: {  	_ = 	snop  }
0x7: {  	_ = 	snop  }
__scs_overlays_trampoline_lowered:
0x8: {  	[smem:$0x3FAE] =	sst s0  }
0x9: {  	[smem:$0x3FAF] =	sst s1  }
0xa: {  	[smem:$0x3FB0] =	sst s2  }
0xb: {  	[smem:$0x3FB1] =	sst s3  }
0xc: {  	[smem:$0x3FB2] =	sst s4  }
0xd: {  	[smem:$0x3FB3] =	sst s5  }
0xe: {  	[smem:$0x3FB4] =	sst s6  }
0xf: {  	[smem:$0x3FB5] =	sst s7  }
0x10: {  	[smem:$0x3FB6] =	sst s8  }
0x11: {  	[smem:$0x3FB7] =	sst s9;
	s0 =	simm.s32 @!p0 $0x0  }
0x12: {  	s1 =	sld [smem:$0x3F9D];
	s0 =	simm.s32 @p0 $0x1  }
0x13: {  	[smem:$0x3FB8] =	sst s0;
	s0 =	simm.s32 @!p1 $0x0  }
0x14: {  	s2 =	sld [smem:$0x3F9C];
	s0 =	simm.s32 @p1 $0x1  }
0x15: {  	[smem:$0x3FB9] =	sst s0;
	s0 =	simm.s32 @!p2 $0x0  }
0x16: {  	s3 =	sld [smem:$0x3FDB];
	s0 =	simm.s32 @p2 $0x1  }
0x17: {  	s4 =	simm.s32 $0x1BF5;
	[smem:$0x3FBB] =	sst s0  }
0x18: {  	s0 =	sld [smem:$0x3F9E];
	_ =	swait.ge [sflag:s4], $0x0  }
0x19: {  	s7 =	sld [smem:$0x3F9F]  }
0x1a: {  	s8 =	sadd.s32 $0xFFFFE003, lr  }
0x1b: {  	s9 =	sadd.s32 $0xFFFFFEF7, lr;
	s5 =	simm.s32 $0xFFFFFFFF;
	p2 =	slt.u32 s8, $0xFFFFF086  }
0x1c: {  	p1 =	slt.u32 s9, $0xF7A;
	s5 =	simm.s32 @!p2 $0x0  }
0x1d: {  	s5 =	simm.s32 @p1 $0x1;
	p0 =	seq.s32 s7, s2  }
0x1e: {  	s7 =	smul.u32 @!p0 $0xF7A, s2;
	p2 =	seq.s32 @!p0 s5, $0x0  }
0x1f: {  	s9 =	smul.u32 $0xF7A, s1;
	s8 =	simm.s32 @!p0 $0x1BF5;
	p2 =	por !p2, p0  }
0x20: {  	[sflag:s8] =	ssyncset.s32 @!p0 $0xFFFFF086;
	s6 =	sadd.s32 @!p0 s3, s7;
	s7 =	simm.s32 @!p0 $0x108  }
0x21: {  	s3 =	sadd.s32 s3, s9;
	s6 =	sadd.s32 @!p0 $0x88, s6;
	s7 =	simm.s32 @p2 $0x1082  }
0x22: {  	[simem:s7], [sflag:s8] =	dma.local @!p0 [hbm:s6], $0xF7A  }
0x23: {  	s9 =	sor.u32 $0xD0000000, s2;
	s6 =	simm.s32 $0x108;
	_ =	swait.ge @!p0 [sflag:s8], $0x0  }
0x24: {  	s3 =	sadd.s32 $0x88, s3;
	s6 =	simm.s32 @!p1 $0x1082;
	[sflag:s4] =	ssyncset.s32 $0xFFFFF086  }
0x25: {  	[simem:s6], [sflag:s4] =	dma.local [hbm:s3], $0xF7A  }
0x26: {  	[smem:$0x3F9F] =	sst s1;
	(tag) =	ssettag s2;
	_ =	strace s9  }
0x27: {  	s1 =	sld [smem:$0x3FAF]  }
0x28: {  	s2 =	sld [smem:$0x3FB0]  }
0x29: {  	s4 =	sld [smem:$0x3FB2]  }
0x2a: {  	p0 =	seq.s32 s5, $0x0;
	s5 =	sld [smem:$0x3FB3]  }
0x2b: {  	s6 =	sld [smem:$0x3FB4]  }
0x2c: {  	s7 =	sld [smem:$0x3FB5]  }
0x2d: {  	s3 =	simm.s32 $0x108;
	s8 =	sld [smem:$0x3FB6]  }
0x2e: {  	s3 =	simm.s32 @!p0 $0x1082;
	s9 =	sld [smem:$0x3FB7]  }
0x2f: {  	lr =	sadd.s32 s0, s3;
	s0 =	sld [smem:$0x3FAE]  }
0x30: {  	s3 =	sld [smem:$0x3FB1]  }
0x31: {  	[smem:$0x3FBA] =	sst s10  }
0x32: {  	s10 =	sld [smem:$0x3FB8];
	_ =	sdelay $0x3  }
0x33: {  	p0 =	seq.s32 s10, $0x1;
	s10 =	sld [smem:$0x3FBA];
	_ =	sdelay $0x3  }
0x34: {  	[smem:$0x3FBA] =	sst s10  }
0x35: {  	s10 =	sld [smem:$0x3FB9];
	_ =	sdelay $0x3  }
0x36: {  	p1 =	seq.s32 s10, $0x1;
	s10 =	sld [smem:$0x3FBA];
	_ =	sdelay $0x3  }
0x37: {  	[smem:$0x3FBA] =	sst s10  }
0x38: {  	s10 =	sld [smem:$0x3FBB]  }
0x39: {  	_ = 	snop;
	(pc) =	sbr.ind lr, $3  }
0x3a: {  	_ = 	snop  }
0x3b: {  	_ = 	snop  }
0x3c: {  	p2 =	seq.s32 s10, $0x1;
	s10 =	sld [smem:$0x3FBA]  }
0x3d: {  	_ =	shalt  }
0x3e: {  	_ =	shalt  }
0x3f: {  	_ =	shalt  }
0x40: {  	_ =	shalt  }
0x41: {  	_ =	shalt  }
0x42: {  	_ =	shalt  }
0x43: {  	_ =	shalt  }
0x44: {  	_ =	shalt  }
0x45: {  	_ =	shalt  }
0x46: {  	_ =	shalt  }
0x47: {  	_ =	shalt  }
0x48: {  	_ =	shalt  }
0x49: {  	_ =	shalt  }
0x4a: {  	_ =	shalt  }
0x4b: {  	_ =	shalt  }
0x4c: {  	_ =	shalt  }
0x4d: {  	_ =	shalt  }
0x4e: {  	_ =	shalt  }
0x4f: {  	_ =	shalt  }
0x50: {  	_ =	shalt  }
0x51: {  	_ =	shalt  }
0x52: {  	_ =	shalt  }
0x53: {  	_ =	shalt  }
0x54: {  	_ =	shalt  }
0x55: {  	_ =	shalt  }
0x56: {  	_ =	shalt  }
0x57: {  	_ =	shalt  }
0x58: {  	_ =	shalt  }
0x59: {  	_ =	shalt  }
0x5a: {  	_ =	shalt  }
0x5b: {  	_ =	shalt  }
0x5c: {  	_ =	shalt  }
0x5d: {  	_ =	shalt  }
0x5e: {  	_ =	shalt  }
0x5f: {  	_ =	shalt  }
0x60: {  	_ =	shalt  }
0x61: {  	_ =	shalt  }
0x62: {  	_ =	shalt  }
0x63: {  	_ =	shalt  }
0x64: {  	_ =	shalt  }
0x65: {  	_ =	shalt  }
0x66: {  	_ =	shalt  }
0x67: {  	_ =	shalt  }
0x68: {  	_ =	shalt  }
0x69: {  	_ =	shalt  }
0x6a: {  	_ =	shalt  }
0x6b: {  	_ =	shalt  }
0x6c: {  	_ =	shalt  }
0x6d: {  	_ =	shalt  }
0x6e: {  	_ =	shalt  }
0x6f: {  	_ =	shalt  }
0x70: {  	_ =	shalt  }
0x71: {  	_ =	shalt  }
0x72: {  	_ =	shalt  }
0x73: {  	_ =	shalt  }
0x74: {  	_ =	shalt  }
0x75: {  	_ =	shalt  }
0x76: {  	_ =	shalt  }
0x77: {  	_ =	shalt  }
0x78: {  	_ =	shalt  }
0x79: {  	_ =	shalt  }
0x7a: {  	_ =	shalt  }
0x7b: {  	_ =	shalt  }
0x7c: {  	_ =	shalt  }
0x7d: {  	_ =	shalt  }
0x7e: {  	_ =	shalt  }
0x7f: {  	_ =	shalt  }
0x80: {  	_ =	shalt  }
0x81: {  	_ =	shalt  }
0x82: {  	_ =	shalt  }
0x83: {  	_ =	shalt  }
0x84: {  	_ =	shalt  }
0x85: {  	_ =	shalt  }
0x86: {  	_ =	shalt  }
0x87: {  	_ =	shalt  }
.Lfunc_end0:
.L_simem_size_0:
called_computation_lowered:
.L_overlay_start_0:
0x88: {  	s2 =	sld [smem:$0x3FD9]  }
0x89: {  	s3 =	sld [smem:$0x3FFE];
	_ =	sdelay $0x1  }
0x8a: {  	s1 =	srdreg.scid  }
0x8b: {  	s0 =	sand.u32 $0x1, s1  }
0x8c: {  	s17 =	sshll.u32 s0, $0xA;
	s2 =	sadd.s32 s3, s2  }
0x8d: {  	s2 =	sadd.s32 s2, s17  }
0x8e: {  	[smem:$0x3FC6] =	sst s2  }
0x8f: {  	_ = 	snop  }
0x90: {  	s2 =	sld [smem:$0x3FC8]  }
0x91: {  	s18 =	sld [smem:$0x3FD0];
	(tm) =	ssettm $0x1  }
0x92: {  	s4 =	sld [smem:$0x3FFB];
	_ =	sdelay $0x3  }
0x93: {  	_ =	strace s4  }
0x94: {  	s4 =	sld [smem:$0x3FFC];
	_ =	sdelay $0x3  }
0x95: {  	_ =	strace s4  }
0x96: {  	s4 =	sld [smem:$0x3FFD];
	_ =	sdelay $0x3  }
0x97: {  	_ =	strace s4  }
0x98: {  	_ =	strace $0x8FFFFFFF  }
0x99: {  	s19 =	sld [smem:$0x3FDB];
	_ =	sdelay $0x1  }
0x9a: {  	s5 =	simm.s32 $_scs_section_size  }
0x9b: {  	s6 =	simm.s32 $_size__tile_overlayer_lowered;
	s7 =	simm.s32 $_tile_overlayer_lowered  }
0x9c: {  	s22 =	simm.s32 $0x1BFF;
	s21 =	sshll.u32 s7, $0x1;
	s4 =	sadd.s32 s5, s19  }
0x9d: {  	s8 =	simm.s32 $0x0;
	s20 =	sshll.u32 s6, $0x1;
	s6 =	sadd.s32 s21, s4  }
0x9e: {  	[timem:s8], [sflag:s22] =	dma.local [hbm:s6], s20  }
0x9f: {  	_ =	swait.ge [sflag:s22], s20  }
0xa0: {  	s5 =	ssub.s32 $0x0, s20;
	[sflag:s22] =	ssyncset.done $0x0  }
0xa1: {  	[sflag:s22] =	ssyncadd.s32 s5;
	_ =	sdelay $0x1  }
0xa2: {  	s23 =	simm.s32 $0x1B8B  }
0xa3: {  	_ =	swait.ge [sflag:s23], $0x1  }
0xa4: {  	[sflag:s23] =	ssyncset.done $0x0  }
0xa5: {  	s25 =	simm.s32 $0x1B8E;
	s24 =	sld [smem:$0x3FFE];
	[sflag:s23] =	ssyncadd.s32 $0xFFFFFFFF  }
0xa6: {  	s26 =	simm.s32 $execute0_lowered;
	[smem:$0x3FD2] =	sst s25  }
0xa7: {  	s6 =	sshll.u32 s26, $0x1;
	_ =	strace $0x80000046;
	[dreg:$0x1] =	wrdreg $0xFFFFFFFF  }
0xa8: {  	s28 =	simm.s32 $_size_execute0_lowered;
	s4 =	sadd.s32 s4, s6;
	[dreg:$0x0] =	wrdreg $0x0  }
0xa9: {  	s6 =	sshll.u32 s28, $0x1;
	[dreg:$0x2] =	wrdreg s4  }
0xaa: {  	[dreg:$0x3] =	wrdreg s6  }
0xab: {  	[dreg:$0x4] =	wrdreg $0xC0  }
0xac: {  	_ =	task [dreg:s8], $0x5FFFF  }
0xad: {  	[dreg:$0x1] =	wrdreg $0xFFFFFFFF  }
0xae: {  	[dreg:$0x0] =	wrdreg $0x60  }
0xaf: {  	[dreg:$0x2] =	wrdreg s24  }
0xb0: {  	[dreg:$0x3] =	wrdreg s2  }
0xb1: {  	[dreg:$0x4] =	wrdreg s18  }
0xb2: {  	[dreg:$0x5] =	wrdreg $0x9  }
0xb3: {  	_ =	task.clear_ibuf [dreg:s8], $0x6FFFF;
	_ =	strace $0x90000046  }
0xb4: {  	s29 =	simm.s32 $0x9;
	_ =	strace $0x80000048  }
0xb5: {  	_ =	swait.ge [sflag:s29], $0x1  }
0xb6: {  	[sflag:s29] =	ssyncadd.s32 $0xFFFFFFFF  }
0xb7: {  	_ =	strace $0x90000048  }
0xb8: {  	_ =	sfence  }
0xb9: {  	s30 =	sld [smem:$0x0];
	_ =	sdelay $0x2  }
0xba: {  	s31 =	sshll.u32 s1, $0xD;
	s1 =	sshrl.u32 s1, $0x2  }
0xbb: {  	s3 =	sand.u32 $0x4000, s31;
	s1 =	sadd.s32 s1, s30  }
0xbc: {  	s0 =	sor.u32 s3, s0;
	s1 =	sshll.u32 s1, $0x11  }
0xbd: {  	s0 =	sor.u32 s1, s0  }
0xbe: {  	s0 =	sadd.s32 $0x8F2B, s0  }
0xbf: {  	[sflag:s0] =	ssyncadd.remote.s32 $0x1  }
0xc0: {  	_ =	sfence.sel $0xFFFF  }
0xc1: {  	[dreg:$0x0] =	wrdreg $0xFFFFFFFF;
	(pc) =	sbr.abs _section_cstart, $3  }
0xc2: {  	[dreg:$0x1] =	wrdreg $0xFFFFFFFF  }
0xc3: {  	_ =	task.clear_ibuf [dreg:s8], $0x2FFFF;
	_ =	strace $0x9FFFFFFF  }
0xc4: {  	(tm) =	ssettm $0x7FFFFFFF  }
0xc5: {  	_ =	shalt  }
tec
execute0_lowered:
.L_overlay_start_1:
0x0: {  	(tag) =	ssettag $0x1  }
0x1: {  	s0 =	rddreg [dreg:$0x0];
	s1 =	srdreg.scid  }
0x2: {  	s3 =	stileid.u32;
	s2 =	rddreg [dreg:$0x1]  }
0x3: {  	s11 =	simm.s32 $0x80;
	s12 =	simm.s32 $0x1C00;
	s13 =	simm.s32 $0x5C00  }
0x4: {  	s15 =	simm.s32 $0x9C00;
	s16 =	simm.s32 $0xDC00;
	s17 =	simm.s32 $0x1  }
0x5: {  	s18 =	simm.s32 $0x11C00;
	s19 =	simm.s32 $0x2;
	s20 =	simm.s32 $0x6  }
0x6: {  	s21 =	simm.s32 $0x3;
	s22 =	simm.s32 $0x7;
	s23 =	simm.s32 $0x4  }
0x7: {  	s24 =	simm.s32 $0x8;
	s25 =	simm.s32 $0x5;
	s26 =	simm.s32 $0x9  }
0x8: {  	s28 =	simm.s32 $0xA;
	s1 =	sand.u32 $0x1, s1;
	s4 =	sshll.u32 s3, $0x1  }
0x9: {  	s3 =	rddreg [dreg:$0x2];
	s5 =	sor.u32 s1, s4;
	s1 =	ssub.s32 $0x2, s1  }
0xa: {  	s4 =	simm.s32 $0x0;
	s6 =	smul.u32 $0x380, s5;
	s30 =	sshrl.u32 s1, $0x1  }
0xb: {  	s29 =	simm.s32 $0x0;
	[smem:$0x7FF] =	sst s4;
	s1 =	ssub.s32 s1, s30  }
0xc: {  	s5 =	smul.u32 $0x32, s5;
	s0 =	sadd.s32 s6, s0;
	s31 =	smax.u32 s1, $0x1  }
0xd: {  	_ =	strace $0x80000047;
	s0 =	sadd.s32 $0x400, s0;
	[dreg:$0x5] =	wrdreg s31  }
0xe: {  	s7 =	sor.u32 $0x1, s5;
	s8 =	sadd.s32 $0x2, s5;
	[dreg:$0x4] =	wrdreg s0  }
.LBB2_1:
0xf: {  	s0 =	rddreg [dreg:$0x4];
	s14 =	simm.s32 $0xB  }
0x10: {  	[tilespmem:s4], [sflag:$0xB] =	stream.linear.gather [hbm4b:s0+s4], $0x1900, $0x38;
	[tilespmem:$0x15C00] =	vst v63  }
0x11: {  	_ =	swait.ge [sflag:s14], $0x1900  }
0x12: {  	[sflag:s14] =	ssyncset.done $0x0  }
0x13: {  	[sflag:s14] =	ssyncadd.s32 $0xFFFFE700  }
0x14: {  	[tilespmem:s12], [sflag:$0x1] =	stream.indirect.gather [hbm4b:s2+s11], $0x80, s4, s11, $0xb8;
	[tilespmem:$0x15C00] =	vst v63  }
0x15: {  	_ = 	snop  }
0x16: {  	[tilespmem:s13], [sflag:$0x2] =	stream.indirect.gather [hbm4b:s2+s11], $0x80, s11, s11, $0xb8;
	[tilespmem:$0x15C00] =	vst v63  }
0x17: {  	s31 =	simm.s32 $0x100;
	s30 =	simm.s32 $0x0  }
0x18: {  	[tilespmem:s15], [sflag:$0x3] =	stream.indirect.gather [hbm4b:s2+s11], $0x80, s31, s11, $0xb8;
	[tilespmem:$0x15C00] =	vst v63  }
.LBB2_2:
0x19: {  	s0 =	smul.u32 $0x5, s30;
	p0 =	seq.s32 s30, $0x0  }
0x1a: {  	s1 =	simm.s32 @!p0 $0x9  }
0x1b: {  	_ =	swait.ge @!p0 [sflag:s1], $0x4000;
	s31 =	sadd.s32 $0x3, s0  }
0x1c: {  	[sflag:s1] =	ssyncset.done @!p0 $0x0;
	s6 =	sshll.u32 s31, $0x7  }
0x1d: {  	[sflag:s1] =	ssyncadd.s32 @!p0 $0xFFFFC000;
	s14 =	sand.u32 $0x3FFFFF80, s6  }
0x1e: {  	[tilespmem:s16], [sflag:$0x4] =	stream.indirect.gather [hbm4b:s2+s11], $0x80, s14, s11, $0xb8;
	[tilespmem:$0x15C00] =	vst v63  }
0x1f: {  	_ =	swait.ge [sflag:s17], $0x4000  }
0x20: {  	[sflag:s17] =	ssyncset.done $0x0  }
0x21: {  	s1 =	simm.s32 $0x1C80;
	[sflag:s17] =	ssyncadd.s32 $0xFFFFC000  }
0x22: {  	v0 =	vld [tilespmem:s1+$0xFFFFFF80]  }
0x23: {  	v1 =	vld [tilespmem:s1+$0xFFFFFF90]  }
0x24: {  	v2 =	vld [tilespmem:s1+$0xFFFFFFA0]  }
0x25: {  	v3 =	vld [tilespmem:s1+$0xFFFFFFB0]  }
0x26: {  	v4 =	vld [tilespmem:s1+$0xFFFFFFC0]  }
0x27: {  	v5 =	vld [tilespmem:s1+$0xFFFFFFD0];
	v0 =	vmul.f32 $1.131370830e+01, v0  }
0x28: {  	v6 =	vld [tilespmem:s1+$0xFFFFFFE0];
	v1 =	vmul.f32 $1.131370830e+01, v1  }
0x29: {  	[tilespmem:s1+$0xFFFFFF80] =	vst v0;
	v0 =	vmul.f32 $1.131370830e+01, v2;
	v2 =	vld [tilespmem:s1+$0x0]  }
0x2a: {  	[tilespmem:s1+$0xFFFFFF90] =	vst v1;
	v1 =	vmul.f32 $1.131370830e+01, v3;
	v3 =	vld [tilespmem:s1+$0x10]  }
0x2b: {  	[tilespmem:s1+$0xFFFFFFA0] =	vst v0;
	v0 =	vmul.f32 $1.131370830e+01, v4;
	v4 =	vld [tilespmem:s1+$0x20]  }
0x2c: {  	v7 =	vld [tilespmem:s1+$0x30];
	[tilespmem:s1+$0xFFFFFFB0] =	vst v1;
	v1 =	vmul.f32 $1.131370830e+01, v5  }
0x2d: {  	v5 =	vmul.f32 $1.131370830e+01, v6;
	[tilespmem:s1+$0xFFFFFFC0] =	vst v0;
	v0 =	vld [tilespmem:s1+$0x40]  }
0x2e: {  	[tilespmem:s1+$0xFFFFFFD0] =	vst v1;
	v1 =	vld [tilespmem:s1+$0x50];
	v2 =	vmul.f32 $1.131370830e+01, v2  }
0x2f: {  	[tilespmem:s1+$0xFFFFFFE0] =	vst v5;
	v6 =	vmul.f32 $1.131370830e+01, v3;
	v3 =	vld [tilespmem:s1+$0x60]  }
0x30: {  	[tilespmem:s1+$0x0] =	vst v2;
	v5 =	vmul.f32 $1.131370830e+01, v4;
	v4 =	vld [tilespmem:s1+$0x70]  }
0x31: {  	s9 =	simm.s32 $0x1D80;
	s6 =	simm.s32 $0x0;
	v2 =	vld [tilespmem:s1+$0xFFFFFFF0];
	[tilespmem:s1+$0x10] =	vst v6;
	v6 =	vmul.f32 $1.131370830e+01, v7  }
.LBB2_3:
0x32: {  	v7 =	vld [tilespmem:s9+$0xFFFFFF80];
	[tilespmem:s1+$0x20] =	vst v5;
	v0 =	vmul.f32 $1.131370830e+01, v0  }
0x33: {  	v5 =	vld [tilespmem:s9+$0xFFFFFF90];
	[tilespmem:s1+$0x30] =	vst v6;
	v1 =	vmul.f32 $1.131370830e+01, v1  }
0x34: {  	v6 =	vld [tilespmem:s9+$0xFFFFFFA0];
	[tilespmem:s1+$0x40] =	vst v0;
	v0 =	vmul.f32 $1.131370830e+01, v3  }
0x35: {  	v3 =	vld [tilespmem:s9+$0xFFFFFFB0];
	[tilespmem:s1+$0x50] =	vst v1;
	v1 =	vmul.f32 $1.131370830e+01, v4  }
0x36: {  	v4 =	vld [tilespmem:s9+$0xFFFFFFC0];
	v2 =	vmul.f32 $1.131370830e+01, v2;
	[tilespmem:s1+$0x60] =	vst v0  }
0x37: {  	v0 =	vmul.f32 $1.131370830e+01, v7;
	v7 =	vld [tilespmem:s9+$0xFFFFFFD0];
	[tilespmem:s1+$0x70] =	vst v1  }
0x38: {  	v1 =	vmul.f32 $1.131370830e+01, v5;
	v5 =	vld [tilespmem:s9+$0xFFFFFFE0];
	[tilespmem:s1+$0xFFFFFFF0] =	vst v2;
	s1 =	smov.u32 s9  }
0x39: {  	[tilespmem:s9+$0xFFFFFF80] =	vst v0;
	v0 =	vmul.f32 $1.131370830e+01, v6;
	v2 =	vld [tilespmem:s9+$0x0]  }
0x3a: {  	[tilespmem:s9+$0xFFFFFF90] =	vst v1;
	v1 =	vmul.f32 $1.131370830e+01, v3;
	v3 =	vld [tilespmem:s9+$0x10]  }
0x3b: {  	s6 =	sadd.s32 $0x2, s6;
	[tilespmem:s9+$0xFFFFFFA0] =	vst v0;
	v0 =	vmul.f32 $1.131370830e+01, v4;
	v4 =	vld [tilespmem:s9+$0x20]  }
0x3c: {  	p1 =	slt.u32 s6, $0x7E;
	[tilespmem:s9+$0xFFFFFFB0] =	vst v1;
	v1 =	vmul.f32 $1.131370830e+01, v7;
	v6 =	vld [tilespmem:s9+$0x30]  }
.Ltmp0:
0x3d: {  	[tilespmem:s9+$0xFFFFFFC0] =	vst v0;
	v5 =	vmul.f32 $1.131370830e+01, v5;
	v0 =	vld [tilespmem:s9+$0x40];
	(pc) =	sbr.rel @p1 .LBB2_3-.Ltmp0, $4  }
0x3e: {  	[tilespmem:s9+$0xFFFFFFD0] =	vst v1;
	v2 =	vmul.f32 $1.131370830e+01, v2;
	v1 =	vld [tilespmem:s9+$0x50]  }
0x3f: {  	[tilespmem:s9+$0xFFFFFFE0] =	vst v5;
	v7 =	vmul.f32 $1.131370830e+01, v3;
	v3 =	vld [tilespmem:s9+$0x60]  }
0x40: {  	[tilespmem:s9+$0x0] =	vst v2;
	v5 =	vmul.f32 $1.131370830e+01, v4;
	v4 =	vld [tilespmem:s9+$0x70]  }
0x41: {  	s9 =	sadd.s32 $0x100, s9;
	v2 =	vld [tilespmem:s1+$0xFFFFFFF0];
	[tilespmem:s1+$0x10] =	vst v7;
	v6 =	vmul.f32 $1.131370830e+01, v6  }
0x42: {  	[tilespmem:s1+$0x20] =	vst v5;
	v0 =	vmul.f32 $1.131370830e+01, v0  }
0x43: {  	[tilespmem:s1+$0x30] =	vst v6;
	v1 =	vmul.f32 $1.131370830e+01, v1  }
0x44: {  	[tilespmem:s1+$0x40] =	vst v0;
	v0 =	vmul.f32 $1.131370830e+01, v3  }
0x45: {  	[tilespmem:s1+$0x50] =	vst v1;
	v1 =	vmul.f32 $1.131370830e+01, v4  }
0x46: {  	s6 =	sadd.s32 s5, s0;
	v2 =	vmul.f32 $1.131370830e+01, v2;
	[tilespmem:s1+$0x60] =	vst v0  }
0x47: {  	s6 =	sshll.u32 s6, $0xB;
	[tilespmem:s1+$0x70] =	vst v1  }
0x48: {  	s10 =	sadd.s32 s3, s6;
	s6 =	simm.s32 @!p0 $0xA;
	[tilespmem:s1+$0xFFFFFFF0] =	vst v2  }
0x49: {  	[hbm4b:s10+s4] =	stream.linear.scatter [tilespmem:s12], [sflag:$0x6], $0x4000, $0x38;
	[tilespmem:$0x15C00] =	vst v63  }
0x4a: {  	s1 =	sadd.s32 $0x4, s0;
	_ =	swait.ge @!p0 [sflag:s6], $0x4000  }
0x4b: {  	s9 =	sshll.u32 s1, $0x7;
	[sflag:s6] =	ssyncset.done @!p0 $0x0  }
0x4c: {  	s14 =	sand.u32 $0x3FFFFF80, s9;
	[sflag:s6] =	ssyncadd.s32 @!p0 $0xFFFFC000  }
0x4d: {  	[tilespmem:s18], [sflag:$0x5] =	stream.indirect.gather [hbm4b:s2+s11], $0x80, s14, s11, $0xb8;
	[tilespmem:$0x15C00] =	vst v63  }
0x4e: {  	_ =	swait.ge [sflag:s19], $0x4000  }
0x4f: {  	[sflag:s19] =	ssyncset.done $0x0  }
0x50: {  	s14 =	simm.s32 $0x5C00;
	[sflag:s19] =	ssyncadd.s32 $0xFFFFC000  }
0x51: {  	v1 =	vld [tilespmem:s14+$0xA0]  }
0x52: {  	v2 =	vld [tilespmem:s14+$0x40]  }
0x53: {  	v3 =	vld [tilespmem:s14+$0xE0]  }
0x54: {  	v4 =	vld [tilespmem:s14+$0xD0]  }
0x55: {  	v5 =	vld [tilespmem:s14+$0x20]  }
0x56: {  	v0 =	vld [tilespmem:s14+$0x90]  }
0x57: {  	v8 =	vld [tilespmem:s14+$0xC0]  }
0x58: {  	v7 =	vld [tilespmem:s14+$0x10]  }
0x59: {  	v9 =	vld [tilespmem:s14+$0x0];
	v1 =	vmul.f32 $1.131370830e+01, v1  }
0x5a: {  	v11 =	vld [tilespmem:s14+$0x50];
	v4 =	vmul.f32 $1.131370830e+01, v4  }
0x5b: {  	v10 =	vld [tilespmem:s14+$0xB0];
	v12 =	vmul.f32 $1.131370830e+01, v5;
	[tilespmem:s14+$0xA0] =	vst v1  }
0x5c: {  	v6 =	vld [tilespmem:s14+$0xF0];
	v13 =	vmul.f32 $1.131370830e+01, v8;
	[tilespmem:s14+$0xD0] =	vst v4  }
0x5d: {  	v1 =	vmul.f32 $1.131370830e+01, v2;
	v2 =	vmul.f32 $1.131370830e+01, v3;
	v3 =	vld [tilespmem:s14+$0x80];
	[tilespmem:s14+$0x20] =	vst v12  }
0x5e: {  	v4 =	vld [tilespmem:s14+$0x70];
	[tilespmem:s14+$0xC0] =	vst v13  }
0x5f: {  	v8 =	vmul.f32 $1.131370830e+01, v9;
	v5 =	vld [tilespmem:s14+$0x60];
	v9 =	vmul.f32 $1.131370830e+01, v11;
	[tilespmem:s14+$0x40] =	vst v1  }
0x60: {  	s9 =	simm.s32 $0x5D00;
	s6 =	simm.s32 $0x0;
	[tilespmem:s14+$0xE0] =	vst v2;
	v1 =	vmul.f32 $1.131370830e+01, v7;
	v7 =	vld [tilespmem:s14+$0x30];
	v2 =	vmul.f32 $1.131370830e+01, v10  }
.LBB2_5:
0x61: {  	v10 =	vld [tilespmem:s9+$0xA0];
	s6 =	sadd.s32 $0x2, s6;
	[tilespmem:s14+$0x0] =	vst v8;
	v0 =	vmul.f32 $1.131370830e+01, v0;
	v6 =	vmul.f32 $1.131370830e+01, v6  }
0x62: {  	v8 =	vld [tilespmem:s9+$0x40];
	p0 =	slt.u32 s6, $0x7E;
	[tilespmem:s14+$0x50] =	vst v9;
	v3 =	vmul.f32 $1.131370830e+01, v3  }
0x63: {  	v9 =	vld [tilespmem:s9+$0xE0];
	v4 =	vmul.f32 $1.131370830e+01, v4;
	[tilespmem:s14+$0xF0] =	vst v6  }
0x64: {  	v11 =	vld [tilespmem:s9+$0x20];
	v5 =	vmul.f32 $1.131370830e+01, v5;
	[tilespmem:s14+$0x80] =	vst v3  }
0x65: {  	v3 =	vld [tilespmem:s9+$0xD0];
	v6 =	vmul.f32 $1.131370830e+01, v7;
	[tilespmem:s14+$0x90] =	vst v0  }
0x66: {  	v0 =	vld [tilespmem:s9+$0x90];
	v7 =	vmul.f32 $1.131370830e+01, v10;
	[tilespmem:s14+$0x10] =	vst v1  }
0x67: {  	v1 =	vld [tilespmem:s9+$0x10];
	[tilespmem:s14+$0x30] =	vst v6  }
0x68: {  	v10 =	vld [tilespmem:s9+$0xC0];
	v9 =	vmul.f32 $1.131370830e+01, v9;
	[tilespmem:s14+$0xB0] =	vst v2  }
0x69: {  	v2 =	vld [tilespmem:s9+$0x0];
	[tilespmem:s14+$0x70] =	vst v4  }
0x6a: {  	v12 =	vld [tilespmem:s9+$0xB0];
	v3 =	vmul.f32 $1.131370830e+01, v3;
	[tilespmem:s14+$0x60] =	vst v5;
	s14 =	smov.u32 s9  }
0x6b: {  	v13 =	vld [tilespmem:s9+$0x50];
	[tilespmem:s9+$0xA0] =	vst v7  }
.Ltmp1:
0x6c: {  	v4 =	vmul.f32 $1.131370830e+01, v8;
	[tilespmem:s9+$0xD0] =	vst v3;
	v6 =	vld [tilespmem:s9+$0xF0];
	(pc) =	sbr.rel @p0 .LBB2_5-.Ltmp1, $4  }
0x6d: {  	v3 =	vld [tilespmem:s9+$0x80];
	v7 =	vmul.f32 $1.131370830e+01, v10;
	[tilespmem:s9+$0xE0] =	vst v9  }
0x6e: {  	v9 =	vmul.f32 $1.131370830e+01, v11;
	[tilespmem:s9+$0x40] =	vst v4;
	v4 =	vld [tilespmem:s9+$0x70]  }
0x6f: {  	v1 =	vmul.f32 $1.131370830e+01, v1;
	v8 =	vmul.f32 $1.131370830e+01, v2;
	v5 =	vld [tilespmem:s9+$0x60];
	[tilespmem:s9+$0xC0] =	vst v7  }
0x70: {  	v2 =	vmul.f32 $1.131370830e+01, v12;
	s9 =	sadd.s32 $0x100, s9;
	[tilespmem:s14+$0x20] =	vst v9;
	v7 =	vld [tilespmem:s14+$0x30];
	v9 =	vmul.f32 $1.131370830e+01, v13  }
0x71: {  	[tilespmem:s14+$0x0] =	vst v8  }
0x72: {  	[tilespmem:s14+$0x10] =	vst v1  }
0x73: {  	v6 =	vmul.f32 $1.131370830e+01, v6;
	[tilespmem:s14+$0x50] =	vst v9  }
0x74: {  	v0 =	vmul.f32 $1.131370830e+01, v0;
	[tilespmem:s14+$0xB0] =	vst v2  }
0x75: {  	v3 =	vmul.f32 $1.131370830e+01, v3;
	[tilespmem:s14+$0xF0] =	vst v6  }
0x76: {  	[tilespmem:s14+$0x90] =	vst v0;
	v0 =	vmul.f32 $1.131370830e+01, v4  }
0x77: {  	s6 =	sadd.s32 s0, s7;
	[tilespmem:s14+$0x80] =	vst v3;
	v1 =	vmul.f32 $1.131370830e+01, v5  }
0x78: {  	s6 =	sshll.u32 s6, $0xB;
	v3 =	vmul.f32 $1.131370830e+01, v7;
	[tilespmem:s14+$0x70] =	vst v0  }
0x79: {  	s6 =	sand.u32 $0x1FFFF800, s6;
	[tilespmem:s14+$0x60] =	vst v1  }
0x7a: {  	p0 =	seq.s32 s30, $0x9;
	s6 =	sadd.s32 s3, s6;
	[tilespmem:s14+$0x30] =	vst v3  }
0x7b: {  	[hbm4b:s6+s4] =	stream.linear.scatter [tilespmem:s13], [sflag:$0x7], $0x4000, $0x38;
	[tilespmem:$0x15C00] =	vst v63  }
0x7c: {  	s6 =	smul.u32 @!p0 $0xA00, s30  }
0x7d: {  	_ =	swait.ge [sflag:s20], $0x4000  }
0x7e: {  	s9 =	simm.s32 @!p0 $0x80;
	[sflag:s20] =	ssyncset.done $0x0;
	s14 =	sshra.s32 @!p0 s6, $0x2  }
0x7f: {  	s10 =	simm.s32 @!p0 $0x1C00;
	[sflag:s20] =	ssyncadd.s32 $0xFFFFC000;
	s6 =	sadd.s32 @!p0 $0x280, s14  }
0x80: {  	[tilespmem:s10], [sflag:$0x1] =	stream.indirect.gather @!p0 [hbm4b:s2+s9], $0x80, s6, s9, $0xb8;
	[tilespmem:$0x15C00] =	vst v63  }
0x81: {  	_ =	swait.ge [sflag:s21], $0x4000  }
0x82: {  	[sflag:s21] =	ssyncset.done $0x0  }
0x83: {  	s6 =	simm.s32 $0x9C00;
	[sflag:s21] =	ssyncadd.s32 $0xFFFFC000  }
0x84: {  	v1 =	vld [tilespmem:s6+$0xA0]  }
0x85: {  	v2 =	vld [tilespmem:s6+$0x40]  }
0x86: {  	v3 =	vld [tilespmem:s6+$0xE0]  }
0x87: {  	v4 =	vld [tilespmem:s6+$0xD0]  }
0x88: {  	v5 =	vld [tilespmem:s6+$0x20]  }
0x89: {  	v0 =	vld [tilespmem:s6+$0x90]  }
0x8a: {  	v8 =	vld [tilespmem:s6+$0xC0]  }
0x8b: {  	v7 =	vld [tilespmem:s6+$0x10]  }
0x8c: {  	v9 =	vld [tilespmem:s6+$0x0];
	v1 =	vmul.f32 $1.131370830e+01, v1  }
0x8d: {  	v11 =	vld [tilespmem:s6+$0x50];
	v4 =	vmul.f32 $1.131370830e+01, v4  }
0x8e: {  	v10 =	vld [tilespmem:s6+$0xB0];
	v12 =	vmul.f32 $1.131370830e+01, v5;
	[tilespmem:s6+$0xA0] =	vst v1  }
0x8f: {  	v6 =	vld [tilespmem:s6+$0xF0];
	v13 =	vmul.f32 $1.131370830e+01, v8;
	[tilespmem:s6+$0xD0] =	vst v4  }
0x90: {  	v1 =	vmul.f32 $1.131370830e+01, v2;
	v2 =	vmul.f32 $1.131370830e+01, v3;
	v3 =	vld [tilespmem:s6+$0x80];
	[tilespmem:s6+$0x20] =	vst v12  }
0x91: {  	v4 =	vld [tilespmem:s6+$0x70];
	[tilespmem:s6+$0xC0] =	vst v13  }
0x92: {  	v8 =	vmul.f32 $1.131370830e+01, v9;
	v5 =	vld [tilespmem:s6+$0x60];
	v9 =	vmul.f32 $1.131370830e+01, v11;
	[tilespmem:s6+$0x40] =	vst v1  }
0x93: {  	s9 =	simm.s32 $0x0;
	s10 =	simm.s32 $0x9D00;
	[tilespmem:s6+$0xE0] =	vst v2;
	v1 =	vmul.f32 $1.131370830e+01, v7;
	v7 =	vld [tilespmem:s6+$0x30];
	v2 =	vmul.f32 $1.131370830e+01, v10  }
.LBB2_7:
0x94: {  	v10 =	vld [tilespmem:s10+$0xA0];
	s9 =	sadd.s32 $0x2, s9;
	[tilespmem:s6+$0x0] =	vst v8;
	v0 =	vmul.f32 $1.131370830e+01, v0;
	v6 =	vmul.f32 $1.131370830e+01, v6  }
0x95: {  	v8 =	vld [tilespmem:s10+$0x40];
	p1 =	slt.u32 s9, $0x7E;
	[tilespmem:s6+$0x50] =	vst v9;
	v3 =	vmul.f32 $1.131370830e+01, v3  }
0x96: {  	v9 =	vld [tilespmem:s10+$0xE0];
	v4 =	vmul.f32 $1.131370830e+01, v4;
	[tilespmem:s6+$0xF0] =	vst v6  }
0x97: {  	v11 =	vld [tilespmem:s10+$0x20];
	v5 =	vmul.f32 $1.131370830e+01, v5;
	[tilespmem:s6+$0x80] =	vst v3  }
0x98: {  	v3 =	vld [tilespmem:s10+$0xD0];
	v6 =	vmul.f32 $1.131370830e+01, v7;
	[tilespmem:s6+$0x90] =	vst v0  }
0x99: {  	v0 =	vld [tilespmem:s10+$0x90];
	v7 =	vmul.f32 $1.131370830e+01, v10;
	[tilespmem:s6+$0x10] =	vst v1  }
0x9a: {  	v1 =	vld [tilespmem:s10+$0x10];
	[tilespmem:s6+$0x30] =	vst v6  }
0x9b: {  	v10 =	vld [tilespmem:s10+$0xC0];
	v9 =	vmul.f32 $1.131370830e+01, v9;
	[tilespmem:s6+$0xB0] =	vst v2  }
0x9c: {  	v2 =	vld [tilespmem:s10+$0x0];
	[tilespmem:s6+$0x70] =	vst v4  }
0x9d: {  	v12 =	vld [tilespmem:s10+$0xB0];
	v3 =	vmul.f32 $1.131370830e+01, v3;
	[tilespmem:s6+$0x60] =	vst v5;
	s6 =	smov.u32 s10  }
0x9e: {  	v13 =	vld [tilespmem:s10+$0x50];
	[tilespmem:s10+$0xA0] =	vst v7  }
.Ltmp2:
0x9f: {  	v4 =	vmul.f32 $1.131370830e+01, v8;
	[tilespmem:s10+$0xD0] =	vst v3;
	v6 =	vld [tilespmem:s10+$0xF0];
	(pc) =	sbr.rel @p1 .LBB2_7-.Ltmp2, $4  }
0xa0: {  	v3 =	vld [tilespmem:s10+$0x80];
	v7 =	vmul.f32 $1.131370830e+01, v10;
	[tilespmem:s10+$0xE0] =	vst v9  }
0xa1: {  	v9 =	vmul.f32 $1.131370830e+01, v11;
	[tilespmem:s10+$0x40] =	vst v4;
	v4 =	vld [tilespmem:s10+$0x70]  }
0xa2: {  	v1 =	vmul.f32 $1.131370830e+01, v1;
	v8 =	vmul.f32 $1.131370830e+01, v2;
	v5 =	vld [tilespmem:s10+$0x60];
	[tilespmem:s10+$0xC0] =	vst v7  }
0xa3: {  	v2 =	vmul.f32 $1.131370830e+01, v12;
	s10 =	sadd.s32 $0x100, s10;
	[tilespmem:s6+$0x20] =	vst v9;
	v7 =	vld [tilespmem:s6+$0x30];
	v9 =	vmul.f32 $1.131370830e+01, v13  }
0xa4: {  	[tilespmem:s6+$0x0] =	vst v8  }
0xa5: {  	[tilespmem:s6+$0x10] =	vst v1  }
0xa6: {  	v6 =	vmul.f32 $1.131370830e+01, v6;
	[tilespmem:s6+$0x50] =	vst v9  }
0xa7: {  	v0 =	vmul.f32 $1.131370830e+01, v0;
	[tilespmem:s6+$0xB0] =	vst v2  }
0xa8: {  	v3 =	vmul.f32 $1.131370830e+01, v3;
	[tilespmem:s6+$0xF0] =	vst v6  }
0xa9: {  	[tilespmem:s6+$0x90] =	vst v0;
	v0 =	vmul.f32 $1.131370830e+01, v4  }
0xaa: {  	s0 =	sadd.s32 s0, s8;
	[tilespmem:s6+$0x80] =	vst v3;
	v1 =	vmul.f32 $1.131370830e+01, v5  }
0xab: {  	s0 =	sshll.u32 s0, $0xB;
	v3 =	vmul.f32 $1.131370830e+01, v7;
	[tilespmem:s6+$0x70] =	vst v0  }
0xac: {  	s0 =	sand.u32 $0x1FFFF800, s0;
	[tilespmem:s6+$0x60] =	vst v1  }
0xad: {  	s0 =	sadd.s32 s3, s0;
	[tilespmem:s6+$0x30] =	vst v3  }
0xae: {  	[hbm4b:s0+s4] =	stream.linear.scatter [tilespmem:s15], [sflag:$0x8], $0x4000, $0x38;
	[tilespmem:$0x15C00] =	vst v63  }
0xaf: {  	_ =	swait.ge [sflag:s22], $0x4000  }
0xb0: {  	s9 =	simm.s32 @!p0 $0x5C00;
	[sflag:s22] =	ssyncset.done $0x0  }
0xb1: {  	s6 =	simm.s32 @!p0 $0x80;
	s0 =	sadd.s32 @!p0 $0x300, s14;
	[sflag:s22] =	ssyncadd.s32 $0xFFFFC000  }
0xb2: {  	[tilespmem:s9], [sflag:$0x2] =	stream.indirect.gather @!p0 [hbm4b:s2+s6], $0x80, s0, s6, $0xb8;
	[tilespmem:$0x15C00] =	vst v63  }
0xb3: {  	_ =	swait.ge [sflag:s23], $0x4000  }
0xb4: {  	[sflag:s23] =	ssyncset.done $0x0  }
0xb5: {  	s0 =	simm.s32 $0xDC00;
	[sflag:s23] =	ssyncadd.s32 $0xFFFFC000  }
0xb6: {  	v1 =	vld [tilespmem:s0+$0xA0]  }
0xb7: {  	v2 =	vld [tilespmem:s0+$0x40]  }
0xb8: {  	v3 =	vld [tilespmem:s0+$0xE0]  }
0xb9: {  	v4 =	vld [tilespmem:s0+$0xD0]  }
0xba: {  	v5 =	vld [tilespmem:s0+$0x20]  }
0xbb: {  	v0 =	vld [tilespmem:s0+$0x90]  }
0xbc: {  	v8 =	vld [tilespmem:s0+$0xC0]  }
0xbd: {  	v7 =	vld [tilespmem:s0+$0x10]  }
0xbe: {  	v9 =	vld [tilespmem:s0+$0x0];
	v1 =	vmul.f32 $1.131370830e+01, v1  }
0xbf: {  	v11 =	vld [tilespmem:s0+$0x50];
	v4 =	vmul.f32 $1.131370830e+01, v4  }
0xc0: {  	v10 =	vld [tilespmem:s0+$0xB0];
	v12 =	vmul.f32 $1.131370830e+01, v5;
	[tilespmem:s0+$0xA0] =	vst v1  }
0xc1: {  	v6 =	vld [tilespmem:s0+$0xF0];
	v13 =	vmul.f32 $1.131370830e+01, v8;
	[tilespmem:s0+$0xD0] =	vst v4  }
0xc2: {  	v1 =	vmul.f32 $1.131370830e+01, v2;
	v2 =	vmul.f32 $1.131370830e+01, v3;
	v3 =	vld [tilespmem:s0+$0x80];
	[tilespmem:s0+$0x20] =	vst v12  }
0xc3: {  	v4 =	vld [tilespmem:s0+$0x70];
	[tilespmem:s0+$0xC0] =	vst v13  }
0xc4: {  	v8 =	vmul.f32 $1.131370830e+01, v9;
	v5 =	vld [tilespmem:s0+$0x60];
	v9 =	vmul.f32 $1.131370830e+01, v11;
	[tilespmem:s0+$0x40] =	vst v1  }
0xc5: {  	s6 =	simm.s32 $0x0;
	s9 =	simm.s32 $0xDD00;
	[tilespmem:s0+$0xE0] =	vst v2;
	v1 =	vmul.f32 $1.131370830e+01, v7;
	v7 =	vld [tilespmem:s0+$0x30];
	v2 =	vmul.f32 $1.131370830e+01, v10  }
.LBB2_9:
0xc6: {  	v10 =	vld [tilespmem:s9+$0xA0];
	s6 =	sadd.s32 $0x2, s6;
	[tilespmem:s0+$0x0] =	vst v8;
	v0 =	vmul.f32 $1.131370830e+01, v0;
	v6 =	vmul.f32 $1.131370830e+01, v6  }
0xc7: {  	v8 =	vld [tilespmem:s9+$0x40];
	p1 =	slt.u32 s6, $0x7E;
	[tilespmem:s0+$0x50] =	vst v9;
	v3 =	vmul.f32 $1.131370830e+01, v3  }
0xc8: {  	v9 =	vld [tilespmem:s9+$0xE0];
	v4 =	vmul.f32 $1.131370830e+01, v4;
	[tilespmem:s0+$0xF0] =	vst v6  }
0xc9: {  	v11 =	vld [tilespmem:s9+$0x20];
	v5 =	vmul.f32 $1.131370830e+01, v5;
	[tilespmem:s0+$0x80] =	vst v3  }
0xca: {  	v3 =	vld [tilespmem:s9+$0xD0];
	v6 =	vmul.f32 $1.131370830e+01, v7;
	[tilespmem:s0+$0x90] =	vst v0  }
0xcb: {  	v0 =	vld [tilespmem:s9+$0x90];
	v7 =	vmul.f32 $1.131370830e+01, v10;
	[tilespmem:s0+$0x10] =	vst v1  }
0xcc: {  	v1 =	vld [tilespmem:s9+$0x10];
	[tilespmem:s0+$0x30] =	vst v6  }
0xcd: {  	v10 =	vld [tilespmem:s9+$0xC0];
	v9 =	vmul.f32 $1.131370830e+01, v9;
	[tilespmem:s0+$0xB0] =	vst v2  }
0xce: {  	v2 =	vld [tilespmem:s9+$0x0];
	[tilespmem:s0+$0x70] =	vst v4  }
0xcf: {  	v12 =	vld [tilespmem:s9+$0xB0];
	v3 =	vmul.f32 $1.131370830e+01, v3;
	[tilespmem:s0+$0x60] =	vst v5;
	s0 =	smov.u32 s9  }
0xd0: {  	v13 =	vld [tilespmem:s9+$0x50];
	[tilespmem:s9+$0xA0] =	vst v7  }
.Ltmp3:
0xd1: {  	v4 =	vmul.f32 $1.131370830e+01, v8;
	[tilespmem:s9+$0xD0] =	vst v3;
	v6 =	vld [tilespmem:s9+$0xF0];
	(pc) =	sbr.rel @p1 .LBB2_9-.Ltmp3, $4  }
0xd2: {  	v3 =	vld [tilespmem:s9+$0x80];
	v7 =	vmul.f32 $1.131370830e+01, v10;
	[tilespmem:s9+$0xE0] =	vst v9  }
0xd3: {  	v9 =	vmul.f32 $1.131370830e+01, v11;
	[tilespmem:s9+$0x40] =	vst v4;
	v4 =	vld [tilespmem:s9+$0x70]  }
0xd4: {  	v1 =	vmul.f32 $1.131370830e+01, v1;
	v8 =	vmul.f32 $1.131370830e+01, v2;
	v5 =	vld [tilespmem:s9+$0x60];
	[tilespmem:s9+$0xC0] =	vst v7  }
0xd5: {  	v2 =	vmul.f32 $1.131370830e+01, v12;
	s9 =	sadd.s32 $0x100, s9;
	[tilespmem:s0+$0x20] =	vst v9;
	v7 =	vld [tilespmem:s0+$0x30];
	v9 =	vmul.f32 $1.131370830e+01, v13  }
0xd6: {  	[tilespmem:s0+$0x0] =	vst v8  }
0xd7: {  	[tilespmem:s0+$0x10] =	vst v1  }
0xd8: {  	v6 =	vmul.f32 $1.131370830e+01, v6;
	[tilespmem:s0+$0x50] =	vst v9  }
0xd9: {  	v0 =	vmul.f32 $1.131370830e+01, v0;
	[tilespmem:s0+$0xB0] =	vst v2  }
0xda: {  	v3 =	vmul.f32 $1.131370830e+01, v3;
	[tilespmem:s0+$0xF0] =	vst v6  }
0xdb: {  	[tilespmem:s0+$0x90] =	vst v0;
	v0 =	vmul.f32 $1.131370830e+01, v4  }
0xdc: {  	s6 =	sadd.s32 s5, s31;
	[tilespmem:s0+$0x80] =	vst v3;
	v1 =	vmul.f32 $1.131370830e+01, v5  }
0xdd: {  	s6 =	sshll.u32 s6, $0xB;
	v3 =	vmul.f32 $1.131370830e+01, v7;
	[tilespmem:s0+$0x70] =	vst v0  }
0xde: {  	s6 =	sand.u32 $0x1FFFF800, s6;
	[tilespmem:s0+$0x60] =	vst v1  }
0xdf: {  	s31 =	sadd.s32 s3, s6;
	[tilespmem:s0+$0x30] =	vst v3  }
0xe0: {  	[hbm4b:s31+s4] =	stream.linear.scatter [tilespmem:s16], [sflag:$0x9], $0x4000, $0x38;
	[tilespmem:$0x15C00] =	vst v63  }
0xe1: {  	_ =	swait.ge [sflag:s24], $0x4000  }
0xe2: {  	s9 =	simm.s32 @!p0 $0x9C00;
	[sflag:s24] =	ssyncset.done $0x0  }
0xe3: {  	s6 =	simm.s32 @!p0 $0x80;
	s0 =	sadd.s32 @!p0 $0x380, s14;
	[sflag:s24] =	ssyncadd.s32 $0xFFFFC000  }
0xe4: {  	[tilespmem:s9], [sflag:$0x3] =	stream.indirect.gather @!p0 [hbm4b:s2+s6], $0x80, s0, s6, $0xb8;
	[tilespmem:$0x15C00] =	vst v63  }
0xe5: {  	_ =	swait.ge [sflag:s25], $0x4000  }
0xe6: {  	[sflag:s25] =	ssyncset.done $0x0  }
0xe7: {  	s0 =	simm.s32 $0x11C00;
	[sflag:s25] =	ssyncadd.s32 $0xFFFFC000  }
0xe8: {  	v1 =	vld [tilespmem:s0+$0xA0]  }
0xe9: {  	v2 =	vld [tilespmem:s0+$0x40]  }
0xea: {  	v3 =	vld [tilespmem:s0+$0xE0]  }
0xeb: {  	v4 =	vld [tilespmem:s0+$0xD0]  }
0xec: {  	v5 =	vld [tilespmem:s0+$0x20]  }
0xed: {  	v0 =	vld [tilespmem:s0+$0x90]  }
0xee: {  	v8 =	vld [tilespmem:s0+$0xC0]  }
0xef: {  	v7 =	vld [tilespmem:s0+$0x10]  }
0xf0: {  	v9 =	vld [tilespmem:s0+$0x0];
	v1 =	vmul.f32 $1.131370830e+01, v1  }
0xf1: {  	v11 =	vld [tilespmem:s0+$0x50];
	v4 =	vmul.f32 $1.131370830e+01, v4  }
0xf2: {  	v10 =	vld [tilespmem:s0+$0xB0];
	v12 =	vmul.f32 $1.131370830e+01, v5;
	[tilespmem:s0+$0xA0] =	vst v1  }
0xf3: {  	v6 =	vld [tilespmem:s0+$0xF0];
	v13 =	vmul.f32 $1.131370830e+01, v8;
	[tilespmem:s0+$0xD0] =	vst v4  }
0xf4: {  	v1 =	vmul.f32 $1.131370830e+01, v2;
	v2 =	vmul.f32 $1.131370830e+01, v3;
	v3 =	vld [tilespmem:s0+$0x80];
	[tilespmem:s0+$0x20] =	vst v12  }
0xf5: {  	v4 =	vld [tilespmem:s0+$0x70];
	[tilespmem:s0+$0xC0] =	vst v13  }
0xf6: {  	v8 =	vmul.f32 $1.131370830e+01, v9;
	v5 =	vld [tilespmem:s0+$0x60];
	v9 =	vmul.f32 $1.131370830e+01, v11;
	[tilespmem:s0+$0x40] =	vst v1  }
0xf7: {  	s6 =	simm.s32 $0x0;
	s9 =	simm.s32 $0x11D00;
	[tilespmem:s0+$0xE0] =	vst v2;
	v1 =	vmul.f32 $1.131370830e+01, v7;
	v7 =	vld [tilespmem:s0+$0x30];
	v2 =	vmul.f32 $1.131370830e+01, v10  }
.LBB2_11:
0xf8: {  	v10 =	vld [tilespmem:s9+$0xA0];
	s6 =	sadd.s32 $0x2, s6;
	[tilespmem:s0+$0x0] =	vst v8;
	v0 =	vmul.f32 $1.131370830e+01, v0;
	v6 =	vmul.f32 $1.131370830e+01, v6  }
0xf9: {  	v8 =	vld [tilespmem:s9+$0x40];
	p0 =	slt.u32 s6, $0x7E;
	[tilespmem:s0+$0x50] =	vst v9;
	v3 =	vmul.f32 $1.131370830e+01, v3  }
0xfa: {  	v9 =	vld [tilespmem:s9+$0xE0];
	v4 =	vmul.f32 $1.131370830e+01, v4;
	[tilespmem:s0+$0xF0] =	vst v6  }
0xfb: {  	v11 =	vld [tilespmem:s9+$0x20];
	v5 =	vmul.f32 $1.131370830e+01, v5;
	[tilespmem:s0+$0x80] =	vst v3  }
0xfc: {  	v3 =	vld [tilespmem:s9+$0xD0];
	v6 =	vmul.f32 $1.131370830e+01, v7;
	[tilespmem:s0+$0x90] =	vst v0  }
0xfd: {  	v0 =	vld [tilespmem:s9+$0x90];
	v7 =	vmul.f32 $1.131370830e+01, v10;
	[tilespmem:s0+$0x10] =	vst v1  }
0xfe: {  	v1 =	vld [tilespmem:s9+$0x10];
	[tilespmem:s0+$0x30] =	vst v6  }
0xff: {  	v10 =	vld [tilespmem:s9+$0xC0];
	v9 =	vmul.f32 $1.131370830e+01, v9;
	[tilespmem:s0+$0xB0] =	vst v2  }
0x100: {  	v2 =	vld [tilespmem:s9+$0x0];
	[tilespmem:s0+$0x70] =	vst v4  }
0x101: {  	v12 =	vld [tilespmem:s9+$0xB0];
	v3 =	vmul.f32 $1.131370830e+01, v3;
	[tilespmem:s0+$0x60] =	vst v5;
	s0 =	smov.u32 s9  }
0x102: {  	v13 =	vld [tilespmem:s9+$0x50];
	[tilespmem:s9+$0xA0] =	vst v7  }
.Ltmp4:
0x103: {  	v4 =	vmul.f32 $1.131370830e+01, v8;
	[tilespmem:s9+$0xD0] =	vst v3;
	v6 =	vld [tilespmem:s9+$0xF0];
	(pc) =	sbr.rel @p0 .LBB2_11-.Ltmp4, $4  }
0x104: {  	v3 =	vld [tilespmem:s9+$0x80];
	v7 =	vmul.f32 $1.131370830e+01, v10;
	[tilespmem:s9+$0xE0] =	vst v9  }
0x105: {  	v9 =	vmul.f32 $1.131370830e+01, v11;
	[tilespmem:s9+$0x40] =	vst v4;
	v4 =	vld [tilespmem:s9+$0x70]  }
0x106: {  	v1 =	vmul.f32 $1.131370830e+01, v1;
	v8 =	vmul.f32 $1.131370830e+01, v2;
	v5 =	vld [tilespmem:s9+$0x60];
	[tilespmem:s9+$0xC0] =	vst v7  }
0x107: {  	v2 =	vmul.f32 $1.131370830e+01, v12;
	s9 =	sadd.s32 $0x100, s9;
	[tilespmem:s0+$0x20] =	vst v9;
	v7 =	vld [tilespmem:s0+$0x30];
	v9 =	vmul.f32 $1.131370830e+01, v13  }
0x108: {  	[tilespmem:s0+$0x0] =	vst v8  }
0x109: {  	[tilespmem:s0+$0x10] =	vst v1  }
0x10a: {  	v6 =	vmul.f32 $1.131370830e+01, v6;
	[tilespmem:s0+$0x50] =	vst v9  }
0x10b: {  	v0 =	vmul.f32 $1.131370830e+01, v0;
	[tilespmem:s0+$0xB0] =	vst v2  }
0x10c: {  	s30 =	sadd.s32 $0x1, s30;
	v3 =	vmul.f32 $1.131370830e+01, v3;
	[tilespmem:s0+$0xF0] =	vst v6  }
0x10d: {  	p0 =	sne.s32 s30, $0xA;
	[tilespmem:s0+$0x90] =	vst v0;
	v62 =	vmul.f32 $1.131370830e+01, v4  }
.Ltmp5:
0x10e: {  	s1 =	sadd.s32 s5, s1;
	[tilespmem:s0+$0x80] =	vst v3;
	v63 =	vmul.f32 $1.131370830e+01, v5;
	(pc) =	sbr.rel @p0 .LBB2_2-.Ltmp5, $4  }
0x10f: {  	s1 =	sshll.u32 s1, $0xB;
	v61 =	vmul.f32 $1.131370830e+01, v7;
	[tilespmem:s0+$0x70] =	vst v62  }
0x110: {  	s1 =	sand.u32 $0x1FFFF800, s1;
	[tilespmem:s0+$0x60] =	vst v63  }
0x111: {  	s31 =	sadd.s32 s3, s1;
	[tilespmem:s0+$0x30] =	vst v61  }
0x112: {  	[hbm4b:s31+s4] =	stream.linear.scatter [tilespmem:s18], [sflag:$0xA], $0x4000, $0x38;
	[tilespmem:$0x15C00] =	vst v63  }
0x113: {  	_ =	swait.ge [sflag:s26], $0x4000  }
0x114: {  	[sflag:s26] =	ssyncset.done $0x0  }
0x115: {  	[sflag:s26] =	ssyncadd.s32 $0xFFFFC000  }
0x116: {  	_ =	swait.ge [sflag:s28], $0x4000  }
0x117: {  	s29 =	sadd.s32 $0x1, s29;
	s0 =	rddreg [dreg:$0x5]  }
0x118: {  	p0 =	sne.s32 s29, s0  }
.Ltmp6:
0x119: {  	_ = 	snop;
	(pc) =	sbr.rel @p0 .LBB2_1-.Ltmp6, $3  }
0x11a: {  	_ =	sdelay $0x1  }
0x11b: {  	[sflag:s28] =	ssyncset.done $0x0  }
0x11c: {  	[sflag:s28] =	ssyncadd.s32 $0xFFFFC000  }
0x11d: {  	_ =	sfence.sel $0x180000  }
0x11e: {  	[bflag:$0x0] =	sbarrier.arrive $0xFFFF  }
0x11f: {  	_ =	strace $0x90000047  }
0x120: {  	s0 =	stileid.u32;
	[bflag:$0x2] =	sbarrier.arrive $0xFFFF  }
0x121: {  	p0 =	sne.s32 s0, $0x0;
	s0 =	rddreg [dreg:$0x3]  }
0x122: {  	s0 =	sadd.s32 @!p0 $0x100000, s0  }
0x123: {  	[sflag:s0] =	ssyncadd.tile.s32 @!p0 $0x1;
	_ =	shalt  }
.Lfunc_end2:
_tile_overlayer_lowered:
.L_overlay_start_2:
0x124: {  	(tag) =	ssettag $0x2  }
0x125: {  	s0 =	rddreg [dreg:$0x0];
	s2 =	stileid.u32  }
0x126: {  	s1 =	rddreg [dreg:$0x1];
	p0 =	sne.s32 s2, $0x0  }
0x127: {  	s3 =	rddreg [dreg:$0x2];
	[bflag:$0x3] =	sbarrier.arrive $0xFFFF;
	s2 =	simm.s32 @!p0 $0x1C0B  }
0x128: {  	[timem:s3], [sflag:s2] =	dma.local @!p0 [hbm:s0], s1  }
0x129: {  	s0 =	simm.s32 @!p0 $0xB  }
0x12a: {  	_ =	swait.ge @!p0 [sflag:s0], s1  }
0x12b: {  	s1 =	ssub.s32 @!p0 $0x0, s1;
	[sflag:s0] =	ssyncset.done @!p0 $0x0  }
0x12c: {  	[sflag:s0] =	ssyncadd.s32 @!p0 s1  }
0x12d: {  	[bflag:$0x3] =	sbarrier.arrive $0xFFFF  }
0x12e: {  	_ =	shalt  }

</sc_bundles>
